<compile_context>
chip_gen: v7x
topology: tpu7x:2x2x1
jax: 0.10.2.dev20260603
libtpu: 0.0.44.dev20260713+nightly
codegen_flags: <defaults>
</compile_context>

<pallas_src>
import functools

import jax
import jax.numpy as jnp
from jax import lax
from jax.experimental import pallas as pl
from jax.experimental.pallas import tpu as pltpu
from jax.experimental.pallas import tpu_sc as plsc

N = 10000
D = 128
H = 128
C = 40

NC = 2
NS = 16
NW = NC * NS
CH = 128

N_ACC = 10112
ROWS_PER_TILE = N_ACC // NS
_BN_RSQRT = 1.0 / (1.0 + 1e-5) ** 0.5


def _sc_mesh():
    return plsc.VectorSubcoreMesh(
        core_axis_name="c", subcore_axis_name="s", num_cores=NC, num_subcores=NS
    )


def _make_deg_kernel(cpw):

    @functools.partial(
        pl.kernel,
        out_type=jax.ShapeDtypeStruct((NC, N_ACC, H), jnp.float32),
        mesh=_sc_mesh(),
        scratch_types=[
            pltpu.VMEM((cpw, CH), jnp.int32),
            pltpu.VMEM((CH, H), jnp.float32),
            pltpu.VMEM_SHARED((N_ACC, H), jnp.float32),
        ],
    )
    def deg_kernel(dstg_hbm, zeros_hbm, out_hbm, dsti_v, ones_v, acc):
        c = lax.axis_index("c")
        s = lax.axis_index("s")
        w = c * NS + s
        r0 = s * ROWS_PER_TILE
        pltpu.sync_copy(zeros_hbm.at[pl.ds(r0, ROWS_PER_TILE)],
                        acc.at[pl.ds(r0, ROWS_PER_TILE)])
        pltpu.sync_copy(dstg_hbm.at[pl.ds(w * cpw, cpw)], dsti_v)

        def fill(i, carry):
            for k in range(8):
                ones_v[i, pl.ds(k * 16, 16)] = jnp.full((16,), 1.0, jnp.float32)
            return carry

        lax.fori_loop(0, CH, fill, 0)
        plsc.subcore_barrier()

        def body(j, carry):
            pltpu.sync_copy(ones_v, acc.at[dsti_v.at[j]], add=True)
            return carry

        lax.fori_loop(0, cpw, body, 0)
        plsc.subcore_barrier()
        pltpu.sync_copy(acc.at[pl.ds(r0, ROWS_PER_TILE)],
                        out_hbm.at[c, pl.ds(r0, ROWS_PER_TILE)])

    return deg_kernel


def _make_agg_kernel(cpw0, cpw1):
    cpwm = max(cpw0, cpw1)

    @functools.partial(
        pl.kernel,
        out_type=jax.ShapeDtypeStruct((NC, N_ACC, H), jnp.float32),
        mesh=_sc_mesh(),
        scratch_types=[
            pltpu.VMEM((cpwm, CH), jnp.int32),
            pltpu.VMEM((cpwm, CH), jnp.int32),
            pltpu.VMEM((CH, H), jnp.float32),
            pltpu.VMEM_SHARED((N_ACC, H), jnp.float32),
            pltpu.SemaphoreType.DMA,
        ],
    )
    def agg_kernel(hp_hbm, srcg_hbm, dstg_hbm, zeros_hbm, out_hbm,
                   srci_v, dsti_v, rows_v, acc, gsem):
        c = lax.axis_index("c")
        s = lax.axis_index("s")
        row0 = jnp.where(c == 0, s * cpw0, NS * cpw0 + s * cpw1)
        nb = jnp.where(c == 0, cpw0, cpw1)
        r0 = s * ROWS_PER_TILE
        pltpu.sync_copy(zeros_hbm.at[pl.ds(r0, ROWS_PER_TILE)],
                        acc.at[pl.ds(r0, ROWS_PER_TILE)])
        pltpu.sync_copy(srcg_hbm.at[pl.ds(row0, cpwm)], srci_v)
        pltpu.sync_copy(dstg_hbm.at[pl.ds(row0, cpwm)], dsti_v)
        plsc.subcore_barrier()

        def body(j, carry):
            pltpu.async_copy(hp_hbm.at[srci_v.at[j]], rows_v, gsem).wait()
            pltpu.sync_copy(rows_v, acc.at[dsti_v.at[j]], add=True)
            return carry

        lax.fori_loop(0, nb, body, 0)
        plsc.subcore_barrier()
        pltpu.sync_copy(acc.at[pl.ds(r0, ROWS_PER_TILE)],
                        out_hbm.at[c, pl.ds(r0, ROWS_PER_TILE)])

    return agg_kernel



_RB = 1000
_GRID = N // _RB


def _t0_body(x_ref, w_ref, d0_ref, d1_ref, a_ref, as_ref, dis_ref):
    deg = 1.0 + d0_ref[...] + d1_ref[...]
    dis = lax.rsqrt(deg)
    a = jnp.dot(x_ref[...], w_ref[...], preferred_element_type=jnp.float32)
    a_ref[...] = a
    as_ref[...] = a * dis
    dis_ref[...] = dis


def _tmid_body(g0_ref, g1_ref, ap_ref, dis_ref, b_ref, gp_ref, bt_ref, w_ref,
               an_ref, ans_ref):
    dis = dis_ref[...]
    z = dis * (g0_ref[0] + g1_ref[0]) + (dis * dis) * ap_ref[...] + b_ref[...]
    h = jnp.maximum(z * gp_ref[...] + bt_ref[...], 0.0)
    a = jnp.dot(h, w_ref[...], preferred_element_type=jnp.float32)
    an_ref[...] = a
    ans_ref[...] = a * dis


def _tfin_body(g0_ref, g1_ref, ap_ref, dis_ref, b_ref, gp_ref, bt_ref, w_ref,
               bl_ref, o_ref):
    dis = dis_ref[...]
    z = dis * (g0_ref[0] + g1_ref[0]) + (dis * dis) * ap_ref[...] + b_ref[...]
    h = jnp.maximum(z * gp_ref[...] + bt_ref[...], 0.0)
    o_ref[...] = (
        jnp.dot(h, w_ref[...], preferred_element_type=jnp.float32) + bl_ref[...]
    )


def _row_spec(width):
    return pl.BlockSpec((_RB, width), lambda i: (i, 0))


def _full_spec(shape):
    return pl.BlockSpec(shape, lambda i: tuple(0 for _ in shape))


def _agg_spec(core):
    return pl.BlockSpec((1, _RB, H), lambda i, c=core: (c, i, 0))


def _t0_call(x, w1t, d0, d1):
    return pl.pallas_call(
        _t0_body,
        grid=(_GRID,),
        in_specs=[_row_spec(D), _full_spec((D, H)), _row_spec(1), _row_spec(1)],
        out_specs=[_row_spec(H), _row_spec(H), _row_spec(1)],
        out_shape=[
            jax.ShapeDtypeStruct((N, H), jnp.float32),
            jax.ShapeDtypeStruct((N, H), jnp.float32),
            jax.ShapeDtypeStruct((N, 1), jnp.float32),
        ],
    )(x, w1t, d0, d1)


def _tmid_call(agg, ap, dis, b, gp, bt, wnt):
    return pl.pallas_call(
        _tmid_body,
        grid=(_GRID,),
        in_specs=[
            _agg_spec(0), _agg_spec(1), _row_spec(H), _row_spec(1),
            _full_spec((1, H)), _full_spec((1, H)), _full_spec((1, H)),
            _full_spec((H, H)),
        ],
        out_specs=[_row_spec(H), _row_spec(H)],
        out_shape=[
            jax.ShapeDtypeStruct((N, H), jnp.float32),
            jax.ShapeDtypeStruct((N, H), jnp.float32),
        ],
    )(agg, agg, ap, dis, b, gp, bt, wnt)


def _tfin_call(agg, ap, dis, b, gp, bt, wlt, bl):
    return pl.pallas_call(
        _tfin_body,
        grid=(_GRID,),
        in_specs=[
            _agg_spec(0), _agg_spec(1), _row_spec(H), _row_spec(1),
            _full_spec((1, H)), _full_spec((1, H)), _full_spec((1, H)),
            _full_spec((H, C)), _full_spec((1, C)),
        ],
        out_specs=pl.BlockSpec((_RB, C), lambda i: (i, 0)),
        out_shape=jax.ShapeDtypeStruct((N, C), jnp.float32),
    )(agg, agg, ap, dis, b, gp, bt, wlt, bl)


def kernel(x, edge_index, W1, b1, g1, bt1, W2, b2, g2, bt2, W3, b3, g3, bt3,
           Wl, bl):
    E = edge_index.shape[1]
    src = edge_index[0].astype(jnp.int32)
    dst = edge_index[1].astype(jnp.int32)

    cpw = -(-E // (NW * CH))
    cpw = -(-cpw // 8) * 8
    pad = NW * CH * cpw - E
    dstg = jnp.concatenate([dst, jnp.full((pad,), N, jnp.int32)]).reshape(
        NW * cpw, CH)

    total = -(-E // (NS * CH))
    total = -(-total // 16) * 16
    cpw0 = total * 3 // 5
    cpw0 = -(-cpw0 // 8) * 8
    cpw1 = total - cpw0
    rows_total = NS * total + max(cpw0, cpw1)
    pad2 = rows_total * CH - E
    srcg_a = jnp.concatenate([src, jnp.zeros((pad2,), jnp.int32)]).reshape(
        rows_total, CH)
    dstg_a = jnp.concatenate([dst, jnp.full((pad2,), N, jnp.int32)]).reshape(
        rows_total, CH)

    zeros_h = jnp.zeros((N_ACC, H), jnp.float32)

    deg_k = _make_deg_kernel(cpw)
    agg_k = _make_agg_kernel(cpw0, cpw1)

    degp = deg_k(dstg, zeros_h)
    d0 = degp[0, :N, 0:1]
    d1 = degp[1, :N, 0:1]

    w1t = W1.T
    w2t = W2.T
    w3t = W3.T
    wlt = Wl.T
    s = jnp.float32(_BN_RSQRT)
    gp1 = (g1 * s).reshape(1, H)
    gp2 = (g2 * s).reshape(1, H)
    gp3 = (g3 * s).reshape(1, H)
    b1r = b1.reshape(1, H)
    b2r = b2.reshape(1, H)
    b3r = b3.reshape(1, H)
    bt1r = bt1.reshape(1, H)
    bt2r = bt2.reshape(1, H)
    bt3r = bt3.reshape(1, H)
    blr = bl.reshape(1, C)

    a1, a1s, dis = _t0_call(x, w1t, d0, d1)
    agg1 = agg_k(a1s, srcg_a, dstg_a, zeros_h)
    a2, a2s = _tmid_call(agg1, a1, dis, b1r, gp1, bt1r, w2t)
    agg2 = agg_k(a2s, srcg_a, dstg_a, zeros_h)
    a3, a3s = _tmid_call(agg2, a2, dis, b2r, gp2, bt2r, w3t)
    agg3 = agg_k(a3s, srcg_a, dstg_a, zeros_h)
    return _tfin_call(agg3, a3, dis, b3r, gp3, bt3r, wlt, blr)

# --- scband reference (transcript-rebuilt; emitter-appended) ---
"""Pipeline reference for scband-net-35287451304525 (READ-ONLY COPY).

The authoritative reference and input builder live on the scoring server;
editing this copy changes nothing except your own understanding.
"""

import jax, jax.numpy as jnp
import numpy as np

N = 10000
E = 320000
D = 128
H = 128
C = 40


def setup_inputs(seed: int = 0) -> dict:
    key = jax.random.key(seed)
    ks = jax.random.split(key, 12)
    x = jax.random.normal(ks[0], (N, D), dtype=jnp.float32)
    edge_index = jax.random.randint(ks[1], (2, E), 0, N)
    # GCNConv weights (stored [out, in] like torch Linear) + biases
    W1 = jax.random.normal(ks[2], (H, D), dtype=jnp.float32) * 0.05
    b1 = jnp.zeros((H,), dtype=jnp.float32)
    W2 = jax.random.normal(ks[3], (H, H), dtype=jnp.float32) * 0.05
    b2 = jnp.zeros((H,), dtype=jnp.float32)
    W3 = jax.random.normal(ks[4], (H, H), dtype=jnp.float32) * 0.05
    b3 = jnp.zeros((H,), dtype=jnp.float32)
    # BatchNorm1d affine params (eval mode: running_mean=0, running_var=1)
    g1 = jnp.ones((H,), dtype=jnp.float32)
    bt1 = jnp.zeros((H,), dtype=jnp.float32)
    g2 = jnp.ones((H,), dtype=jnp.float32)
    bt2 = jnp.zeros((H,), dtype=jnp.float32)
    g3 = jnp.ones((H,), dtype=jnp.float32)
    bt3 = jnp.zeros((H,), dtype=jnp.float32)
    # Final linear layer
    Wl = jax.random.normal(ks[5], (C, H), dtype=jnp.float32) * 0.05
    bl = jnp.zeros((C,), dtype=jnp.float32)
    return {"x": x, "edge_index": edge_index,
            "W1": W1, "b1": b1, "g1": g1, "bt1": bt1,
            "W2": W2, "b2": b2, "g2": g2, "bt2": bt2,
            "W3": W3, "b3": b3, "g3": g3, "bt3": bt3,
            "Wl": Wl, "bl": bl}


def _gcn_conv(x, W, b, src2, dst2, norm):
    # PyG GCNConv: h = x @ W^T, propagate with symmetric norm, + bias
    h = x @ W.T
    msg = h[src2] * norm[:, None]
    out = jnp.zeros((N, h.shape[1]), dtype=h.dtype).at[dst2].add(msg)
    return out + b


def _bn_eval(x, g, bt):
    # eval-mode BN with running_mean=0, running_var=1
    return x / jnp.sqrt(1.0 + 1e-5) * g + bt


def reference(x, edge_index, W1, b1, g1, bt1, W2, b2, g2, bt2, W3, b3, g3, bt3, Wl, bl):
    src, dst = edge_index[0], edge_index[1]
    loop = jnp.arange(N, dtype=src.dtype)
    src2 = jnp.concatenate([src, loop])
    dst2 = jnp.concatenate([dst, loop])
    deg = jnp.zeros((N,), dtype=jnp.float32).at[dst2].add(1.0)
    dis = jnp.where(deg > 0, 1.0 / jnp.sqrt(deg), 0.0)
    norm = dis[src2] * dis[dst2]
    h = x
    for (W, b, g, bt) in [(W1, b1, g1, bt1), (W2, b2, g2, bt2), (W3, b3, g3, bt3)]:
        h = _gcn_conv(h, W, b, src2, dst2, norm)
        h = _bn_eval(h, g, bt)
        h = jax.nn.relu(h)
        # dropout is identity in eval mode
    return h @ Wl.T + bl

if __name__ == "__main__":
    import jax
    _d = setup_inputs()
    print(jax.jit(kernel)(*tuple(_d.values())))

</pallas_src>

<mosaic_0001>
#map = affine_map<(d0, d1) -> (0, 0)>
#map1 = affine_map<(d0, d1) -> (0, 0, 0)>
module attributes {stable_mosaic.version = 14 : i64} {
  func.func @deg_kernel(%arg0: i32, %arg1: i32, %arg2: memref<2560x128xi32, #tpu.memory_space<hbm>>, %arg3: memref<10112x128xf32, #tpu.memory_space<hbm>>, %arg4: memref<2x10112x128xf32, #tpu.memory_space<hbm>>, %arg5: memref<80x128xi32, #tpu.memory_space<vmem>>, %arg6: memref<128x128xf32, #tpu.memory_space<vmem>>, %arg7: memref<10112x128xf32, #tpu.memory_space<vmem_shared>>) attributes {dimension_semantics = [#tpu.dimension_semantics<core_parallel>, #tpu.dimension_semantics<subcore_parallel>], iteration_bounds = array<i64: 2, 16>, scalar_prefetch = 0 : i64, scratch_operands = 3 : i64, tpu.core_type = #tpu.core_type<sc_vector_subcore>, window_params = [{transform_indices = #map}, {transform_indices = #map}, {transform_indices = #map1}]} {
    %mul3A = arith.constant 16 : i32
    %mul3A_0 = arith.muli %arg0, %mul3A : i32
    %add3A = arith.addi %mul3A_0, %arg1 : i32
    %mul3A_1 = arith.constant 632 : i32
    %mul3A_2 = arith.muli %arg1, %mul3A_1 : i32
    "tpu.region"() ({
      %run_scoped3A = tpu.sem_alloc : memref<!tpu.dma_semaphore, #tpu.memory_space<semaphore_mem>>
      %dma_start3A = arith.constant 0 : i32
      %dma_start3A_17 = tpu.memref_slice %arg7[%mul3A_2, %dma_start3A] : memref<10112x128xf32, #tpu.memory_space<vmem_shared>> -> memref<632x128xf32, #tpu.memory_space<vmem_shared>>
      %dma_start3A_18 = arith.constant 0 : i32
      %dma_start3A_19 = tpu.memref_slice %arg3[%mul3A_2, %dma_start3A_18] : memref<10112x128xf32, #tpu.memory_space<hbm>> -> memref<632x128xf32, #tpu.memory_space<hbm>>
      tpu.enqueue_dma source(%dma_start3A_19 : memref<632x128xf32, #tpu.memory_space<hbm>>) target(%dma_start3A_17 : memref<632x128xf32, #tpu.memory_space<vmem_shared>>) target_semaphore(%run_scoped3A : memref<!tpu.dma_semaphore, #tpu.memory_space<semaphore_mem>>)
      %dma_wait3A = arith.constant 0 : i32
      %dma_wait3A_20 = tpu.memref_slice %arg7[%mul3A_2, %dma_wait3A] : memref<10112x128xf32, #tpu.memory_space<vmem_shared>> -> memref<632x128xf32, #tpu.memory_space<vmem_shared>>
      %dma_wait3A_21 = arith.constant 0 : i32
      %dma_wait3A_22 = tpu.memref_slice %arg3[%mul3A_2, %dma_wait3A_21] : memref<10112x128xf32, #tpu.memory_space<hbm>> -> memref<632x128xf32, #tpu.memory_space<hbm>>
      tpu.wait_dma2 semaphore(%run_scoped3A : memref<!tpu.dma_semaphore, #tpu.memory_space<semaphore_mem>>) src(%dma_wait3A_22 : memref<632x128xf32, #tpu.memory_space<hbm>>) dst(%dma_wait3A_20 : memref<632x128xf32, #tpu.memory_space<vmem_shared>>)
      tpu.yield
    }) : () -> ()
    %mul3A_3 = arith.constant 80 : i32
    %mul3A_4 = arith.muli %add3A, %mul3A_3 : i32
    "tpu.region"() ({
      %run_scoped3A = tpu.sem_alloc : memref<!tpu.dma_semaphore, #tpu.memory_space<semaphore_mem>>
      %dma_start3A = arith.constant 0 : i32
      %dma_start3A_17 = tpu.memref_slice %arg2[%mul3A_4, %dma_start3A] : memref<2560x128xi32, #tpu.memory_space<hbm>> -> memref<80x128xi32, #tpu.memory_space<hbm>>
      %dma_start3A_18 = arith.constant 0 : i32
      %dma_start3A_19 = tpu.memref_slice %arg2[%mul3A_4, %dma_start3A_18] : memref<2560x128xi32, #tpu.memory_space<hbm>> -> memref<80x128xi32, #tpu.memory_space<hbm>>
      tpu.enqueue_dma source(%dma_start3A_19 : memref<80x128xi32, #tpu.memory_space<hbm>>) target(%arg5 : memref<80x128xi32, #tpu.memory_space<vmem>>) target_semaphore(%run_scoped3A : memref<!tpu.dma_semaphore, #tpu.memory_space<semaphore_mem>>)
      %dma_wait3A = arith.constant 0 : i32
      %dma_wait3A_20 = tpu.memref_slice %arg2[%mul3A_4, %dma_wait3A] : memref<2560x128xi32, #tpu.memory_space<hbm>> -> memref<80x128xi32, #tpu.memory_space<hbm>>
      %dma_wait3A_21 = arith.constant 0 : i32
      %dma_wait3A_22 = tpu.memref_slice %arg2[%mul3A_4, %dma_wait3A_21] : memref<2560x128xi32, #tpu.memory_space<hbm>> -> memref<80x128xi32, #tpu.memory_space<hbm>>
      tpu.wait_dma2 semaphore(%run_scoped3A : memref<!tpu.dma_semaphore, #tpu.memory_space<semaphore_mem>>) src(%dma_wait3A_22 : memref<80x128xi32, #tpu.memory_space<hbm>>) dst(%arg5 : memref<80x128xi32, #tpu.memory_space<vmem>>)
      tpu.yield
    }) : () -> ()
    %scan3A = arith.constant 0 : i32
    %scan3A_5 = arith.constant 0 : i32
    %scan3A_6 = arith.constant 128 : i32
    %scan3A_7 = arith.addi %scan3A_5, %scan3A_6 : i32
    %scan3A_8 = arith.constant 1 : i32
    scf.for %scan3A_17 = %scan3A_5 to %scan3A_7 step %scan3A_8  : i32 {
      %broadcast_in_dim3A = arith.constant 1.000000e+00 : f32
      %broadcast_in_dim3A_18 = vector.broadcast %broadcast_in_dim3A : f32 to vector<16xf32>
      %swap3A = arith.index_cast %scan3A_17 : i32 to index
      %swap3A_19 = arith.constant 0 : index
      %swap3A_20 = tpu.vector_load %arg6[%swap3A, %swap3A_19] {strides = array<i32>} : memref<128x128xf32, #tpu.memory_space<vmem>>, vector<1x16xf32>,
      %swap3A_21 = vector.shape_cast %swap3A_20 : vector<1x16xf32> to vector<16xf32>
      %swap3A_22 = vector.shape_cast %broadcast_in_dim3A_18 : vector<16xf32> to vector<1x16xf32>
      tpu.vector_store %arg6[%swap3A, %swap3A_19], %swap3A_22 {strides = array<i32>} : memref<128x128xf32, #tpu.memory_space<vmem>>, vector<1x16xf32>,
      %broadcast_in_dim3A_23 = arith.constant 1.000000e+00 : f32
      %broadcast_in_dim3A_24 = vector.broadcast %broadcast_in_dim3A_23 : f32 to vector<16xf32>
      %swap3A_25 = arith.index_cast %scan3A_17 : i32 to index
      %swap3A_26 = arith.constant 16 : index
      %swap3A_27 = tpu.vector_load %arg6[%swap3A_25, %swap3A_26] {strides = array<i32>} : memref<128x128xf32, #tpu.memory_space<vmem>>, vector<1x16xf32>,
      %swap3A_28 = vector.shape_cast %swap3A_27 : vector<1x16xf32> to vector<16xf32>
      %swap3A_29 = vector.shape_cast %broadcast_in_dim3A_24 : vector<16xf32> to vector<1x16xf32>
      tpu.vector_store %arg6[%swap3A_25, %swap3A_26], %swap3A_29 {strides = array<i32>} : memref<128x128xf32, #tpu.memory_space<vmem>>, vector<1x16xf32>,
      %broadcast_in_dim3A_30 = arith.constant 1.000000e+00 : f32
      %broadcast_in_dim3A_31 = vector.broadcast %broadcast_in_dim3A_30 : f32 to vector<16xf32>
      %swap3A_32 = arith.index_cast %scan3A_17 : i32 to index
      %swap3A_33 = arith.constant 32 : index
      %swap3A_34 = tpu.vector_load %arg6[%swap3A_32, %swap3A_33] {strides = array<i32>} : memref<128x128xf32, #tpu.memory_space<vmem>>, vector<1x16xf32>,
      %swap3A_35 = vector.shape_cast %swap3A_34 : vector<1x16xf32> to vector<16xf32>
      %swap3A_36 = vector.shape_cast %broadcast_in_dim3A_31 : vector<16xf32> to vector<1x16xf32>
      tpu.vector_store %arg6[%swap3A_32, %swap3A_33], %swap3A_36 {strides = array<i32>} : memref<128x128xf32, #tpu.memory_space<vmem>>, vector<1x16xf32>,
      %broadcast_in_dim3A_37 = arith.constant 1.000000e+00 : f32
      %broadcast_in_dim3A_38 = vector.broadcast %broadcast_in_dim3A_37 : f32 to vector<16xf32>
      %swap3A_39 = arith.index_cast %scan3A_17 : i32 to index
      %swap3A_40 = arith.constant 48 : index
      %swap3A_41 = tpu.vector_load %arg6[%swap3A_39, %swap3A_40] {strides = array<i32>} : memref<128x128xf32, #tpu.memory_space<vmem>>, vector<1x16xf32>,
      %swap3A_42 = vector.shape_cast %swap3A_41 : vector<1x16xf32> to vector<16xf32>
      %swap3A_43 = vector.shape_cast %broadcast_in_dim3A_38 : vector<16xf32> to vector<1x16xf32>
      tpu.vector_store %arg6[%swap3A_39, %swap3A_40], %swap3A_43 {strides = array<i32>} : memref<128x128xf32, #tpu.memory_space<vmem>>, vector<1x16xf32>,
      %broadcast_in_dim3A_44 = arith.constant 1.000000e+00 : f32
      %broadcast_in_dim3A_45 = vector.broadcast %broadcast_in_dim3A_44 : f32 to vector<16xf32>
      %swap3A_46 = arith.index_cast %scan3A_17 : i32 to index
      %swap3A_47 = arith.constant 64 : index
      %swap3A_48 = tpu.vector_load %arg6[%swap3A_46, %swap3A_47] {strides = array<i32>} : memref<128x128xf32, #tpu.memory_space<vmem>>, vector<1x16xf32>,
      %swap3A_49 = vector.shape_cast %swap3A_48 : vector<1x16xf32> to vector<16xf32>
      %swap3A_50 = vector.shape_cast %broadcast_in_dim3A_45 : vector<16xf32> to vector<1x16xf32>
      tpu.vector_store %arg6[%swap3A_46, %swap3A_47], %swap3A_50 {strides = array<i32>} : memref<128x128xf32, #tpu.memory_space<vmem>>, vector<1x16xf32>,
      %broadcast_in_dim3A_51 = arith.constant 1.000000e+00 : f32
      %broadcast_in_dim3A_52 = vector.broadcast %broadcast_in_dim3A_51 : f32 to vector<16xf32>
      %swap3A_53 = arith.index_cast %scan3A_17 : i32 to index
      %swap3A_54 = arith.constant 80 : index
      %swap3A_55 = tpu.vector_load %arg6[%swap3A_53, %swap3A_54] {strides = array<i32>} : memref<128x128xf32, #tpu.memory_space<vmem>>, vector<1x16xf32>,
      %swap3A_56 = vector.shape_cast %swap3A_55 : vector<1x16xf32> to vector<16xf32>
      %swap3A_57 = vector.shape_cast %broadcast_in_dim3A_52 : vector<16xf32> to vector<1x16xf32>
      tpu.vector_store %arg6[%swap3A_53, %swap3A_54], %swap3A_57 {strides = array<i32>} : memref<128x128xf32, #tpu.memory_space<vmem>>, vector<1x16xf32>,
      %broadcast_in_dim3A_58 = arith.constant 1.000000e+00 : f32
      %broadcast_in_dim3A_59 = vector.broadcast %broadcast_in_dim3A_58 : f32 to vector<16xf32>
      %swap3A_60 = arith.index_cast %scan3A_17 : i32 to index
      %swap3A_61 = arith.constant 96 : index
      %swap3A_62 = tpu.vector_load %arg6[%swap3A_60, %swap3A_61] {strides = array<i32>} : memref<128x128xf32, #tpu.memory_space<vmem>>, vector<1x16xf32>,
      %swap3A_63 = vector.shape_cast %swap3A_62 : vector<1x16xf32> to vector<16xf32>
      %swap3A_64 = vector.shape_cast %broadcast_in_dim3A_59 : vector<16xf32> to vector<1x16xf32>
      tpu.vector_store %arg6[%swap3A_60, %swap3A_61], %swap3A_64 {strides = array<i32>} : memref<128x128xf32, #tpu.memory_space<vmem>>, vector<1x16xf32>,
      %broadcast_in_dim3A_65 = arith.constant 1.000000e+00 : f32
      %broadcast_in_dim3A_66 = vector.broadcast %broadcast_in_dim3A_65 : f32 to vector<16xf32>
      %swap3A_67 = arith.index_cast %scan3A_17 : i32 to index
      %swap3A_68 = arith.constant 112 : index
      %swap3A_69 = tpu.vector_load %arg6[%swap3A_67, %swap3A_68] {strides = array<i32>} : memref<128x128xf32, #tpu.memory_space<vmem>>, vector<1x16xf32>,
      %swap3A_70 = vector.shape_cast %swap3A_69 : vector<1x16xf32> to vector<16xf32>
      %swap3A_71 = vector.shape_cast %broadcast_in_dim3A_66 : vector<16xf32> to vector<1x16xf32>
      tpu.vector_store %arg6[%swap3A_67, %swap3A_68], %swap3A_71 {strides = array<i32>} : memref<128x128xf32, #tpu.memory_space<vmem>>, vector<1x16xf32>,
    }
    %scan3A_9 = arith.constant 128 : i32
    %barrier3A = arith.constant 0 : index
    tpu.barrier barrier_id(%barrier3A)
    %scan3A_10 = arith.constant 0 : i32
    %scan3A_11 = arith.constant 0 : i32
    %scan3A_12 = arith.constant 80 : i32
    %scan3A_13 = arith.addi %scan3A_11, %scan3A_12 : i32
    %scan3A_14 = arith.constant 1 : i32
    scf.for %scan3A_17 = %scan3A_11 to %scan3A_13 step %scan3A_14  : i32 {
      "tpu.region"() ({
        %run_scoped3A = tpu.sem_alloc : memref<!tpu.dma_semaphore, #tpu.memory_space<semaphore_mem>>
        %dma_start3A = arith.constant 0 : i32
        %dma_start3A_18 = tpu.memref_slice %arg5[%scan3A_17, %dma_start3A] : memref<80x128xi32, #tpu.memory_space<vmem>> -> memref<1x128xi32, #tpu.memory_space<vmem>>
        %dma_start3A_19 = tpu.memref_squeeze %dma_start3A_18 : memref<1x128xi32, #tpu.memory_space<vmem>> -> memref<128xi32, #tpu.memory_space<vmem>>
        %dma_start3A_20 = arith.constant 0 : i32
        %dma_start3A_21 = arith.constant 0 : i32
        %dma_start3A_22 = tpu.memref_slice %arg7[%dma_start3A_20, %dma_start3A_21] : memref<10112x128xf32, #tpu.memory_space<vmem_shared>> -> memref<10112x128xf32, #tpu.memory_space<vmem_shared>>
        tpu.enqueue_indirect_dma source(%arg6 : memref<128x128xf32, #tpu.memory_space<vmem>>) target(%dma_start3A_22 : memref<10112x128xf32, #tpu.memory_space<vmem_shared>>) offsets(%dma_start3A_19 : memref<128xi32, #tpu.memory_space<vmem>>) semaphore(%run_scoped3A : memref<!tpu.dma_semaphore, #tpu.memory_space<semaphore_mem>>) {add = true}
        %dma_wait3A = arith.constant 0 : i32
        %dma_wait3A_23 = tpu.memref_slice %arg5[%scan3A_17, %dma_wait3A] : memref<80x128xi32, #tpu.memory_space<vmem>> -> memref<1x128xi32, #tpu.memory_space<vmem>>
        %dma_wait3A_24 = tpu.memref_squeeze %dma_wait3A_23 : memref<1x128xi32, #tpu.memory_space<vmem>> -> memref<128xi32, #tpu.memory_space<vmem>>
        %dma_wait3A_25 = arith.constant 0 : i32
        %dma_wait3A_26 = arith.constant 0 : i32
        %dma_wait3A_27 = tpu.memref_slice %arg7[%dma_wait3A_25, %dma_wait3A_26] : memref<10112x128xf32, #tpu.memory_space<vmem_shared>> -> memref<10112x128xf32, #tpu.memory_space<vmem_shared>>
        tpu.wait_indirect_dma semaphore(%run_scoped3A : memref<!tpu.dma_semaphore, #tpu.memory_space<semaphore_mem>>) src(%arg6 : memref<128x128xf32, #tpu.memory_space<vmem>>) dst(%dma_wait3A_27 : memref<10112x128xf32, #tpu.memory_space<vmem_shared>>)
        tpu.yield
      }) : () -> ()
    }
    %scan3A_15 = arith.constant 80 : i32
    %barrier3A_16 = arith.constant 0 : index
    tpu.barrier barrier_id(%barrier3A_16)
    "tpu.region"() ({
      %run_scoped3A = tpu.sem_alloc : memref<!tpu.dma_semaphore, #tpu.memory_space<semaphore_mem>>
      %dma_start3A = arith.constant 0 : i32
      %dma_start3A_17 = tpu.memref_slice %arg4[%arg0, %mul3A_2, %dma_start3A] : memref<2x10112x128xf32, #tpu.memory_space<hbm>> -> memref<1x632x128xf32, #tpu.memory_space<hbm>>
      %dma_start3A_18 = tpu.memref_squeeze %dma_start3A_17 : memref<1x632x128xf32, #tpu.memory_space<hbm>> -> memref<632x128xf32, #tpu.memory_space<hbm>>
      %dma_start3A_19 = arith.constant 0 : i32
      %dma_start3A_20 = tpu.memref_slice %arg7[%mul3A_2, %dma_start3A_19] : memref<10112x128xf32, #tpu.memory_space<vmem_shared>> -> memref<632x128xf32, #tpu.memory_space<vmem_shared>>
      tpu.enqueue_dma source(%dma_start3A_20 : memref<632x128xf32, #tpu.memory_space<vmem_shared>>) target(%dma_start3A_18 : memref<632x128xf32, #tpu.memory_space<hbm>>) target_semaphore(%run_scoped3A : memref<!tpu.dma_semaphore, #tpu.memory_space<semaphore_mem>>)
      %dma_wait3A = arith.constant 0 : i32
      %dma_wait3A_21 = tpu.memref_slice %arg4[%arg0, %mul3A_2, %dma_wait3A] : memref<2x10112x128xf32, #tpu.memory_space<hbm>> -> memref<1x632x128xf32, #tpu.memory_space<hbm>>
      %dma_wait3A_22 = tpu.memref_squeeze %dma_wait3A_21 : memref<1x632x128xf32, #tpu.memory_space<hbm>> -> memref<632x128xf32, #tpu.memory_space<hbm>>
      %dma_wait3A_23 = arith.constant 0 : i32
      %dma_wait3A_24 = tpu.memref_slice %arg7[%mul3A_2, %dma_wait3A_23] : memref<10112x128xf32, #tpu.memory_space<vmem_shared>> -> memref<632x128xf32, #tpu.memory_space<vmem_shared>>
      tpu.wait_dma2 semaphore(%run_scoped3A : memref<!tpu.dma_semaphore, #tpu.memory_space<semaphore_mem>>) src(%dma_wait3A_24 : memref<632x128xf32, #tpu.memory_space<vmem_shared>>) dst(%dma_wait3A_22 : memref<632x128xf32, #tpu.memory_space<hbm>>)
      tpu.yield
    }) : () -> ()
    return
  }
}

#map = affine_map<(d0, d1) -> (0, 0)>
#map1 = affine_map<(d0, d1) -> (0, 0, 0)>
module attributes {stable_mosaic.version = 14 : i64} {
  func.func @agg_kernel(%arg0: i32, %arg1: i32, %arg2: memref<10000x128xf32, #tpu.memory_space<hbm>>, %arg3: memref<2656x128xi32, #tpu.memory_space<hbm>>, %arg4: memref<2656x128xi32, #tpu.memory_space<hbm>>, %arg5: memref<10112x128xf32, #tpu.memory_space<hbm>>, %arg6: memref<2x10112x128xf32, #tpu.memory_space<hbm>>, %arg7: memref<96x128xi32, #tpu.memory_space<vmem>>, %arg8: memref<96x128xi32, #tpu.memory_space<vmem>>, %arg9: memref<128x128xf32, #tpu.memory_space<vmem>>, %arg10: memref<10112x128xf32, #tpu.memory_space<vmem_shared>>, %arg11: memref<!tpu.dma_semaphore, #tpu.memory_space<semaphore_mem>>) attributes {dimension_semantics = [#tpu.dimension_semantics<core_parallel>, #tpu.dimension_semantics<subcore_parallel>], iteration_bounds = array<i64: 2, 16>, scalar_prefetch = 0 : i64, scratch_operands = 5 : i64, tpu.core_type = #tpu.core_type<sc_vector_subcore>, window_params = [{transform_indices = #map}, {transform_indices = #map}, {transform_indices = #map}, {transform_indices = #map}, {transform_indices = #map1}]} {
    %eq3A = arith.constant 0 : i32
    %eq3A_0 = arith.cmpi eq, %arg0, %eq3A : i32
    %mul3A = arith.constant 96 : i32
    %mul3A_1 = arith.muli %arg1, %mul3A : i32
    %mul3A_2 = arith.constant 64 : i32
    %mul3A_3 = arith.muli %arg1, %mul3A_2 : i32
    %add3A = arith.constant 1536 : i32
    %add3A_4 = arith.addi %add3A, %mul3A_3 : i32
    %select_n3A = arith.select %eq3A_0, %mul3A_1, %add3A_4 : i32
    %eq3A_5 = arith.constant 0 : i32
    %eq3A_6 = arith.cmpi eq, %arg0, %eq3A_5 : i32
    %jit3A = arith.constant 96 : i32
    %jit3A_7 = arith.constant 64 : i32
    %select_n3A_8 = arith.select %eq3A_6, %jit3A, %jit3A_7 : i32
    %mul3A_9 = arith.constant 632 : i32
    %mul3A_10 = arith.muli %arg1, %mul3A_9 : i32
    "tpu.region"() ({
      %run_scoped3A = tpu.sem_alloc : memref<!tpu.dma_semaphore, #tpu.memory_space<semaphore_mem>>
      %dma_start3A = arith.constant 0 : i32
      %dma_start3A_21 = tpu.memref_slice %arg10[%mul3A_10, %dma_start3A] : memref<10112x128xf32, #tpu.memory_space<vmem_shared>> -> memref<632x128xf32, #tpu.memory_space<vmem_shared>>
      %dma_start3A_22 = arith.constant 0 : i32
      %dma_start3A_23 = tpu.memref_slice %arg5[%mul3A_10, %dma_start3A_22] : memref<10112x128xf32, #tpu.memory_space<hbm>> -> memref<632x128xf32, #tpu.memory_space<hbm>>
      tpu.enqueue_dma source(%dma_start3A_23 : memref<632x128xf32, #tpu.memory_space<hbm>>) target(%dma_start3A_21 : memref<632x128xf32, #tpu.memory_space<vmem_shared>>) target_semaphore(%run_scoped3A : memref<!tpu.dma_semaphore, #tpu.memory_space<semaphore_mem>>)
      %dma_wait3A = arith.constant 0 : i32
      %dma_wait3A_24 = tpu.memref_slice %arg10[%mul3A_10, %dma_wait3A] : memref<10112x128xf32, #tpu.memory_space<vmem_shared>> -> memref<632x128xf32, #tpu.memory_space<vmem_shared>>
      %dma_wait3A_25 = arith.constant 0 : i32
      %dma_wait3A_26 = tpu.memref_slice %arg5[%mul3A_10, %dma_wait3A_25] : memref<10112x128xf32, #tpu.memory_space<hbm>> -> memref<632x128xf32, #tpu.memory_space<hbm>>
      tpu.wait_dma2 semaphore(%run_scoped3A : memref<!tpu.dma_semaphore, #tpu.memory_space<semaphore_mem>>) src(%dma_wait3A_26 : memref<632x128xf32, #tpu.memory_space<hbm>>) dst(%dma_wait3A_24 : memref<632x128xf32, #tpu.memory_space<vmem_shared>>)
      tpu.yield
    }) : () -> ()
    "tpu.region"() ({
      %run_scoped3A = tpu.sem_alloc : memref<!tpu.dma_semaphore, #tpu.memory_space<semaphore_mem>>
      %dma_start3A = arith.constant 0 : i32
      %dma_start3A_21 = tpu.memref_slice %arg3[%select_n3A, %dma_start3A] : memref<2656x128xi32, #tpu.memory_space<hbm>> -> memref<96x128xi32, #tpu.memory_space<hbm>>
      %dma_start3A_22 = arith.constant 0 : i32
      %dma_start3A_23 = tpu.memref_slice %arg3[%select_n3A, %dma_start3A_22] : memref<2656x128xi32, #tpu.memory_space<hbm>> -> memref<96x128xi32, #tpu.memory_space<hbm>>
      tpu.enqueue_dma source(%dma_start3A_23 : memref<96x128xi32, #tpu.memory_space<hbm>>) target(%arg7 : memref<96x128xi32, #tpu.memory_space<vmem>>) target_semaphore(%run_scoped3A : memref<!tpu.dma_semaphore, #tpu.memory_space<semaphore_mem>>)
      %dma_wait3A = arith.constant 0 : i32
      %dma_wait3A_24 = tpu.memref_slice %arg3[%select_n3A, %dma_wait3A] : memref<2656x128xi32, #tpu.memory_space<hbm>> -> memref<96x128xi32, #tpu.memory_space<hbm>>
      %dma_wait3A_25 = arith.constant 0 : i32
      %dma_wait3A_26 = tpu.memref_slice %arg3[%select_n3A, %dma_wait3A_25] : memref<2656x128xi32, #tpu.memory_space<hbm>> -> memref<96x128xi32, #tpu.memory_space<hbm>>
      tpu.wait_dma2 semaphore(%run_scoped3A : memref<!tpu.dma_semaphore, #tpu.memory_space<semaphore_mem>>) src(%dma_wait3A_26 : memref<96x128xi32, #tpu.memory_space<hbm>>) dst(%arg7 : memref<96x128xi32, #tpu.memory_space<vmem>>)
      tpu.yield
    }) : () -> ()
    "tpu.region"() ({
      %run_scoped3A = tpu.sem_alloc : memref<!tpu.dma_semaphore, #tpu.memory_space<semaphore_mem>>
      %dma_start3A = arith.constant 0 : i32
      %dma_start3A_21 = tpu.memref_slice %arg4[%select_n3A, %dma_start3A] : memref<2656x128xi32, #tpu.memory_space<hbm>> -> memref<96x128xi32, #tpu.memory_space<hbm>>
      %dma_start3A_22 = arith.constant 0 : i32
      %dma_start3A_23 = tpu.memref_slice %arg4[%select_n3A, %dma_start3A_22] : memref<2656x128xi32, #tpu.memory_space<hbm>> -> memref<96x128xi32, #tpu.memory_space<hbm>>
      tpu.enqueue_dma source(%dma_start3A_23 : memref<96x128xi32, #tpu.memory_space<hbm>>) target(%arg8 : memref<96x128xi32, #tpu.memory_space<vmem>>) target_semaphore(%run_scoped3A : memref<!tpu.dma_semaphore, #tpu.memory_space<semaphore_mem>>)
      %dma_wait3A = arith.constant 0 : i32
      %dma_wait3A_24 = tpu.memref_slice %arg4[%select_n3A, %dma_wait3A] : memref<2656x128xi32, #tpu.memory_space<hbm>> -> memref<96x128xi32, #tpu.memory_space<hbm>>
      %dma_wait3A_25 = arith.constant 0 : i32
      %dma_wait3A_26 = tpu.memref_slice %arg4[%select_n3A, %dma_wait3A_25] : memref<2656x128xi32, #tpu.memory_space<hbm>> -> memref<96x128xi32, #tpu.memory_space<hbm>>
      tpu.wait_dma2 semaphore(%run_scoped3A : memref<!tpu.dma_semaphore, #tpu.memory_space<semaphore_mem>>) src(%dma_wait3A_26 : memref<96x128xi32, #tpu.memory_space<hbm>>) dst(%arg8 : memref<96x128xi32, #tpu.memory_space<vmem>>)
      tpu.yield
    }) : () -> ()
    %barrier3A = arith.constant 0 : index
    tpu.barrier barrier_id(%barrier3A)
    %while3A = arith.constant 0 : i32
    %while3A_11 = arith.constant 0 : i32
    %while3A_12 = arith.subi %select_n3A_8, %while3A_11 : i32
    %while3A_13 = arith.addi %while3A_11, %while3A_12 : i32
    %while3A_14 = arith.constant 1 : i32
    %while3A_15 = arith.divsi %while3A_12, %while3A_14 : i32
    %while3A_16 = arith.muli %while3A_15, %while3A_14 : i32
    %while3A_17 = arith.addi %while3A_11, %while3A_16 : i32
    %while3A_18 = arith.constant 1 : i32
    scf.for %while3A_21 = %while3A_11 to %while3A_17 step %while3A_18  : i32 {
      %dma_start3A = arith.constant 0 : i32
      %dma_start3A_22 = tpu.memref_slice %arg7[%while3A_21, %dma_start3A] : memref<96x128xi32, #tpu.memory_space<vmem>> -> memref<1x128xi32, #tpu.memory_space<vmem>>
      %dma_start3A_23 = tpu.memref_squeeze %dma_start3A_22 : memref<1x128xi32, #tpu.memory_space<vmem>> -> memref<128xi32, #tpu.memory_space<vmem>>
      %dma_start3A_24 = arith.constant 0 : i32
      %dma_start3A_25 = arith.constant 0 : i32
      %dma_start3A_26 = tpu.memref_slice %arg2[%dma_start3A_24, %dma_start3A_25] : memref<10000x128xf32, #tpu.memory_space<hbm>> -> memref<10000x128xf32, #tpu.memory_space<hbm>>
      tpu.enqueue_indirect_dma source(%dma_start3A_26 : memref<10000x128xf32, #tpu.memory_space<hbm>>) target(%arg9 : memref<128x128xf32, #tpu.memory_space<vmem>>) offsets(%dma_start3A_23 : memref<128xi32, #tpu.memory_space<vmem>>) semaphore(%arg11 : memref<!tpu.dma_semaphore, #tpu.memory_space<semaphore_mem>>)
      %dma_wait3A = arith.constant 0 : i32
      %dma_wait3A_27 = tpu.memref_slice %arg7[%while3A_21, %dma_wait3A] : memref<96x128xi32, #tpu.memory_space<vmem>> -> memref<1x128xi32, #tpu.memory_space<vmem>>
      %dma_wait3A_28 = tpu.memref_squeeze %dma_wait3A_27 : memref<1x128xi32, #tpu.memory_space<vmem>> -> memref<128xi32, #tpu.memory_space<vmem>>
      %dma_wait3A_29 = arith.constant 0 : i32
      %dma_wait3A_30 = arith.constant 0 : i32
      %dma_wait3A_31 = tpu.memref_slice %arg2[%dma_wait3A_29, %dma_wait3A_30] : memref<10000x128xf32, #tpu.memory_space<hbm>> -> memref<10000x128xf32, #tpu.memory_space<hbm>>
      tpu.wait_indirect_dma semaphore(%arg11 : memref<!tpu.dma_semaphore, #tpu.memory_space<semaphore_mem>>) src(%dma_wait3A_31 : memref<10000x128xf32, #tpu.memory_space<hbm>>) dst(%arg9 : memref<128x128xf32, #tpu.memory_space<vmem>>)
      "tpu.region"() ({
        %run_scoped3A = tpu.sem_alloc : memref<!tpu.dma_semaphore, #tpu.memory_space<semaphore_mem>>
        %dma_start3A_32 = arith.constant 0 : i32
        %dma_start3A_33 = tpu.memref_slice %arg8[%while3A_21, %dma_start3A_32] : memref<96x128xi32, #tpu.memory_space<vmem>> -> memref<1x128xi32, #tpu.memory_space<vmem>>
        %dma_start3A_34 = tpu.memref_squeeze %dma_start3A_33 : memref<1x128xi32, #tpu.memory_space<vmem>> -> memref<128xi32, #tpu.memory_space<vmem>>
        %dma_start3A_35 = arith.constant 0 : i32
        %dma_start3A_36 = arith.constant 0 : i32
        %dma_start3A_37 = tpu.memref_slice %arg10[%dma_start3A_35, %dma_start3A_36] : memref<10112x128xf32, #tpu.memory_space<vmem_shared>> -> memref<10112x128xf32, #tpu.memory_space<vmem_shared>>
        tpu.enqueue_indirect_dma source(%arg9 : memref<128x128xf32, #tpu.memory_space<vmem>>) target(%dma_start3A_37 : memref<10112x128xf32, #tpu.memory_space<vmem_shared>>) offsets(%dma_start3A_34 : memref<128xi32, #tpu.memory_space<vmem>>) semaphore(%run_scoped3A : memref<!tpu.dma_semaphore, #tpu.memory_space<semaphore_mem>>) {add = true}
        %dma_wait3A_38 = arith.constant 0 : i32
        %dma_wait3A_39 = tpu.memref_slice %arg8[%while3A_21, %dma_wait3A_38] : memref<96x128xi32, #tpu.memory_space<vmem>> -> memref<1x128xi32, #tpu.memory_space<vmem>>
        %dma_wait3A_40 = tpu.memref_squeeze %dma_wait3A_39 : memref<1x128xi32, #tpu.memory_space<vmem>> -> memref<128xi32, #tpu.memory_space<vmem>>
        %dma_wait3A_41 = arith.constant 0 : i32
        %dma_wait3A_42 = arith.constant 0 : i32
        %dma_wait3A_43 = tpu.memref_slice %arg10[%dma_wait3A_41, %dma_wait3A_42] : memref<10112x128xf32, #tpu.memory_space<vmem_shared>> -> memref<10112x128xf32, #tpu.memory_space<vmem_shared>>
        tpu.wait_indirect_dma semaphore(%run_scoped3A : memref<!tpu.dma_semaphore, #tpu.memory_space<semaphore_mem>>) src(%arg9 : memref<128x128xf32, #tpu.memory_space<vmem>>) dst(%dma_wait3A_43 : memref<10112x128xf32, #tpu.memory_space<vmem_shared>>)
        tpu.yield
      }) : () -> ()
    }
    %while3A_19 = arith.constant 1 : i32
    scf.for %while3A_21 = %while3A_17 to %while3A_13 step %while3A_19  : i32 {
      %dma_start3A = arith.constant 0 : i32
      %dma_start3A_22 = tpu.memref_slice %arg7[%while3A_21, %dma_start3A] : memref<96x128xi32, #tpu.memory_space<vmem>> -> memref<1x128xi32, #tpu.memory_space<vmem>>
      %dma_start3A_23 = tpu.memref_squeeze %dma_start3A_22 : memref<1x128xi32, #tpu.memory_space<vmem>> -> memref<128xi32, #tpu.memory_space<vmem>>
      %dma_start3A_24 = arith.constant 0 : i32
      %dma_start3A_25 = arith.constant 0 : i32
      %dma_start3A_26 = tpu.memref_slice %arg2[%dma_start3A_24, %dma_start3A_25] : memref<10000x128xf32, #tpu.memory_space<hbm>> -> memref<10000x128xf32, #tpu.memory_space<hbm>>
      tpu.enqueue_indirect_dma source(%dma_start3A_26 : memref<10000x128xf32, #tpu.memory_space<hbm>>) target(%arg9 : memref<128x128xf32, #tpu.memory_space<vmem>>) offsets(%dma_start3A_23 : memref<128xi32, #tpu.memory_space<vmem>>) semaphore(%arg11 : memref<!tpu.dma_semaphore, #tpu.memory_space<semaphore_mem>>)
      %dma_wait3A = arith.constant 0 : i32
      %dma_wait3A_27 = tpu.memref_slice %arg7[%while3A_21, %dma_wait3A] : memref<96x128xi32, #tpu.memory_space<vmem>> -> memref<1x128xi32, #tpu.memory_space<vmem>>
      %dma_wait3A_28 = tpu.memref_squeeze %dma_wait3A_27 : memref<1x128xi32, #tpu.memory_space<vmem>> -> memref<128xi32, #tpu.memory_space<vmem>>
      %dma_wait3A_29 = arith.constant 0 : i32
      %dma_wait3A_30 = arith.constant 0 : i32
      %dma_wait3A_31 = tpu.memref_slice %arg2[%dma_wait3A_29, %dma_wait3A_30] : memref<10000x128xf32, #tpu.memory_space<hbm>> -> memref<10000x128xf32, #tpu.memory_space<hbm>>
      tpu.wait_indirect_dma semaphore(%arg11 : memref<!tpu.dma_semaphore, #tpu.memory_space<semaphore_mem>>) src(%dma_wait3A_31 : memref<10000x128xf32, #tpu.memory_space<hbm>>) dst(%arg9 : memref<128x128xf32, #tpu.memory_space<vmem>>)
      "tpu.region"() ({
        %run_scoped3A = tpu.sem_alloc : memref<!tpu.dma_semaphore, #tpu.memory_space<semaphore_mem>>
        %dma_start3A_32 = arith.constant 0 : i32
        %dma_start3A_33 = tpu.memref_slice %arg8[%while3A_21, %dma_start3A_32] : memref<96x128xi32, #tpu.memory_space<vmem>> -> memref<1x128xi32, #tpu.memory_space<vmem>>
        %dma_start3A_34 = tpu.memref_squeeze %dma_start3A_33 : memref<1x128xi32, #tpu.memory_space<vmem>> -> memref<128xi32, #tpu.memory_space<vmem>>
        %dma_start3A_35 = arith.constant 0 : i32
        %dma_start3A_36 = arith.constant 0 : i32
        %dma_start3A_37 = tpu.memref_slice %arg10[%dma_start3A_35, %dma_start3A_36] : memref<10112x128xf32, #tpu.memory_space<vmem_shared>> -> memref<10112x128xf32, #tpu.memory_space<vmem_shared>>
        tpu.enqueue_indirect_dma source(%arg9 : memref<128x128xf32, #tpu.memory_space<vmem>>) target(%dma_start3A_37 : memref<10112x128xf32, #tpu.memory_space<vmem_shared>>) offsets(%dma_start3A_34 : memref<128xi32, #tpu.memory_space<vmem>>) semaphore(%run_scoped3A : memref<!tpu.dma_semaphore, #tpu.memory_space<semaphore_mem>>) {add = true}
        %dma_wait3A_38 = arith.constant 0 : i32
        %dma_wait3A_39 = tpu.memref_slice %arg8[%while3A_21, %dma_wait3A_38] : memref<96x128xi32, #tpu.memory_space<vmem>> -> memref<1x128xi32, #tpu.memory_space<vmem>>
        %dma_wait3A_40 = tpu.memref_squeeze %dma_wait3A_39 : memref<1x128xi32, #tpu.memory_space<vmem>> -> memref<128xi32, #tpu.memory_space<vmem>>
        %dma_wait3A_41 = arith.constant 0 : i32
        %dma_wait3A_42 = arith.constant 0 : i32
        %dma_wait3A_43 = tpu.memref_slice %arg10[%dma_wait3A_41, %dma_wait3A_42] : memref<10112x128xf32, #tpu.memory_space<vmem_shared>> -> memref<10112x128xf32, #tpu.memory_space<vmem_shared>>
        tpu.wait_indirect_dma semaphore(%run_scoped3A : memref<!tpu.dma_semaphore, #tpu.memory_space<semaphore_mem>>) src(%arg9 : memref<128x128xf32, #tpu.memory_space<vmem>>) dst(%dma_wait3A_43 : memref<10112x128xf32, #tpu.memory_space<vmem_shared>>)
        tpu.yield
      }) : () -> ()
    }
    %barrier3A_20 = arith.constant 0 : index
    tpu.barrier barrier_id(%barrier3A_20)
    "tpu.region"() ({
      %run_scoped3A = tpu.sem_alloc : memref<!tpu.dma_semaphore, #tpu.memory_space<semaphore_mem>>
      %dma_start3A = arith.constant 0 : i32
      %dma_start3A_21 = tpu.memref_slice %arg6[%arg0, %mul3A_10, %dma_start3A] : memref<2x10112x128xf32, #tpu.memory_space<hbm>> -> memref<1x632x128xf32, #tpu.memory_space<hbm>>
      %dma_start3A_22 = tpu.memref_squeeze %dma_start3A_21 : memref<1x632x128xf32, #tpu.memory_space<hbm>> -> memref<632x128xf32, #tpu.memory_space<hbm>>
      %dma_start3A_23 = arith.constant 0 : i32
      %dma_start3A_24 = tpu.memref_slice %arg10[%mul3A_10, %dma_start3A_23] : memref<10112x128xf32, #tpu.memory_space<vmem_shared>> -> memref<632x128xf32, #tpu.memory_space<vmem_shared>>
      tpu.enqueue_dma source(%dma_start3A_24 : memref<632x128xf32, #tpu.memory_space<vmem_shared>>) target(%dma_start3A_22 : memref<632x128xf32, #tpu.memory_space<hbm>>) target_semaphore(%run_scoped3A : memref<!tpu.dma_semaphore, #tpu.memory_space<semaphore_mem>>)
      %dma_wait3A = arith.constant 0 : i32
      %dma_wait3A_25 = tpu.memref_slice %arg6[%arg0, %mul3A_10, %dma_wait3A] : memref<2x10112x128xf32, #tpu.memory_space<hbm>> -> memref<1x632x128xf32, #tpu.memory_space<hbm>>
      %dma_wait3A_26 = tpu.memref_squeeze %dma_wait3A_25 : memref<1x632x128xf32, #tpu.memory_space<hbm>> -> memref<632x128xf32, #tpu.memory_space<hbm>>
      %dma_wait3A_27 = arith.constant 0 : i32
      %dma_wait3A_28 = tpu.memref_slice %arg10[%mul3A_10, %dma_wait3A_27] : memref<10112x128xf32, #tpu.memory_space<vmem_shared>> -> memref<632x128xf32, #tpu.memory_space<vmem_shared>>
      tpu.wait_dma2 semaphore(%run_scoped3A : memref<!tpu.dma_semaphore, #tpu.memory_space<semaphore_mem>>) src(%dma_wait3A_28 : memref<632x128xf32, #tpu.memory_space<vmem_shared>>) dst(%dma_wait3A_26 : memref<632x128xf32, #tpu.memory_space<hbm>>)
      tpu.yield
    }) : () -> ()
    return
  }
}

#map = affine_map<(d0, d1) -> (0, 0)>
#map1 = affine_map<(d0, d1) -> (0, 0, 0)>
module attributes {stable_mosaic.version = 14 : i64} {
  func.func @agg_kernel(%arg0: i32, %arg1: i32, %arg2: memref<10000x128xf32, #tpu.memory_space<hbm>>, %arg3: memref<2656x128xi32, #tpu.memory_space<hbm>>, %arg4: memref<2656x128xi32, #tpu.memory_space<hbm>>, %arg5: memref<10112x128xf32, #tpu.memory_space<hbm>>, %arg6: memref<2x10112x128xf32, #tpu.memory_space<hbm>>, %arg7: memref<96x128xi32, #tpu.memory_space<vmem>>, %arg8: memref<96x128xi32, #tpu.memory_space<vmem>>, %arg9: memref<128x128xf32, #tpu.memory_space<vmem>>, %arg10: memref<10112x128xf32, #tpu.memory_space<vmem_shared>>, %arg11: memref<!tpu.dma_semaphore, #tpu.memory_space<semaphore_mem>>) attributes {dimension_semantics = [#tpu.dimension_semantics<core_parallel>, #tpu.dimension_semantics<subcore_parallel>], iteration_bounds = array<i64: 2, 16>, scalar_prefetch = 0 : i64, scratch_operands = 5 : i64, tpu.core_type = #tpu.core_type<sc_vector_subcore>, window_params = [{transform_indices = #map}, {transform_indices = #map}, {transform_indices = #map}, {transform_indices = #map}, {transform_indices = #map1}]} {
    %eq3A = arith.constant 0 : i32
    %eq3A_0 = arith.cmpi eq, %arg0, %eq3A : i32
    %mul3A = arith.constant 96 : i32
    %mul3A_1 = arith.muli %arg1, %mul3A : i32
    %mul3A_2 = arith.constant 64 : i32
    %mul3A_3 = arith.muli %arg1, %mul3A_2 : i32
    %add3A = arith.constant 1536 : i32
    %add3A_4 = arith.addi %add3A, %mul3A_3 : i32
    %select_n3A = arith.select %eq3A_0, %mul3A_1, %add3A_4 : i32
    %eq3A_5 = arith.constant 0 : i32
    %eq3A_6 = arith.cmpi eq, %arg0, %eq3A_5 : i32
    %jit3A = arith.constant 96 : i32
    %jit3A_7 = arith.constant 64 : i32
    %select_n3A_8 = arith.select %eq3A_6, %jit3A, %jit3A_7 : i32
    %mul3A_9 = arith.constant 632 : i32
    %mul3A_10 = arith.muli %arg1, %mul3A_9 : i32
    "tpu.region"() ({
      %run_scoped3A = tpu.sem_alloc : memref<!tpu.dma_semaphore, #tpu.memory_space<semaphore_mem>>
      %dma_start3A = arith.constant 0 : i32
      %dma_start3A_21 = tpu.memref_slice %arg10[%mul3A_10, %dma_start3A] : memref<10112x128xf32, #tpu.memory_space<vmem_shared>> -> memref<632x128xf32, #tpu.memory_space<vmem_shared>>
      %dma_start3A_22 = arith.constant 0 : i32
      %dma_start3A_23 = tpu.memref_slice %arg5[%mul3A_10, %dma_start3A_22] : memref<10112x128xf32, #tpu.memory_space<hbm>> -> memref<632x128xf32, #tpu.memory_space<hbm>>
      tpu.enqueue_dma source(%dma_start3A_23 : memref<632x128xf32, #tpu.memory_space<hbm>>) target(%dma_start3A_21 : memref<632x128xf32, #tpu.memory_space<vmem_shared>>) target_semaphore(%run_scoped3A : memref<!tpu.dma_semaphore, #tpu.memory_space<semaphore_mem>>)
      %dma_wait3A = arith.constant 0 : i32
      %dma_wait3A_24 = tpu.memref_slice %arg10[%mul3A_10, %dma_wait3A] : memref<10112x128xf32, #tpu.memory_space<vmem_shared>> -> memref<632x128xf32, #tpu.memory_space<vmem_shared>>
      %dma_wait3A_25 = arith.constant 0 : i32
      %dma_wait3A_26 = tpu.memref_slice %arg5[%mul3A_10, %dma_wait3A_25] : memref<10112x128xf32, #tpu.memory_space<hbm>> -> memref<632x128xf32, #tpu.memory_space<hbm>>
      tpu.wait_dma2 semaphore(%run_scoped3A : memref<!tpu.dma_semaphore, #tpu.memory_space<semaphore_mem>>) src(%dma_wait3A_26 : memref<632x128xf32, #tpu.memory_space<hbm>>) dst(%dma_wait3A_24 : memref<632x128xf32, #tpu.memory_space<vmem_shared>>)
      tpu.yield
    }) : () -> ()
    "tpu.region"() ({
      %run_scoped3A = tpu.sem_alloc : memref<!tpu.dma_semaphore, #tpu.memory_space<semaphore_mem>>
      %dma_start3A = arith.constant 0 : i32
      %dma_start3A_21 = tpu.memref_slice %arg3[%select_n3A, %dma_start3A] : memref<2656x128xi32, #tpu.memory_space<hbm>> -> memref<96x128xi32, #tpu.memory_space<hbm>>
      %dma_start3A_22 = arith.constant 0 : i32
      %dma_start3A_23 = tpu.memref_slice %arg3[%select_n3A, %dma_start3A_22] : memref<2656x128xi32, #tpu.memory_space<hbm>> -> memref<96x128xi32, #tpu.memory_space<hbm>>
      tpu.enqueue_dma source(%dma_start3A_23 : memref<96x128xi32, #tpu.memory_space<hbm>>) target(%arg7 : memref<96x128xi32, #tpu.memory_space<vmem>>) target_semaphore(%run_scoped3A : memref<!tpu.dma_semaphore, #tpu.memory_space<semaphore_mem>>)
      %dma_wait3A = arith.constant 0 : i32
      %dma_wait3A_24 = tpu.memref_slice %arg3[%select_n3A, %dma_wait3A] : memref<2656x128xi32, #tpu.memory_space<hbm>> -> memref<96x128xi32, #tpu.memory_space<hbm>>
      %dma_wait3A_25 = arith.constant 0 : i32
      %dma_wait3A_26 = tpu.memref_slice %arg3[%select_n3A, %dma_wait3A_25] : memref<2656x128xi32, #tpu.memory_space<hbm>> -> memref<96x128xi32, #tpu.memory_space<hbm>>
      tpu.wait_dma2 semaphore(%run_scoped3A : memref<!tpu.dma_semaphore, #tpu.memory_space<semaphore_mem>>) src(%dma_wait3A_26 : memref<96x128xi32, #tpu.memory_space<hbm>>) dst(%arg7 : memref<96x128xi32, #tpu.memory_space<vmem>>)
      tpu.yield
    }) : () -> ()
    "tpu.region"() ({
      %run_scoped3A = tpu.sem_alloc : memref<!tpu.dma_semaphore, #tpu.memory_space<semaphore_mem>>
      %dma_start3A = arith.constant 0 : i32
      %dma_start3A_21 = tpu.memref_slice %arg4[%select_n3A, %dma_start3A] : memref<2656x128xi32, #tpu.memory_space<hbm>> -> memref<96x128xi32, #tpu.memory_space<hbm>>
      %dma_start3A_22 = arith.constant 0 : i32
      %dma_start3A_23 = tpu.memref_slice %arg4[%select_n3A, %dma_start3A_22] : memref<2656x128xi32, #tpu.memory_space<hbm>> -> memref<96x128xi32, #tpu.memory_space<hbm>>
      tpu.enqueue_dma source(%dma_start3A_23 : memref<96x128xi32, #tpu.memory_space<hbm>>) target(%arg8 : memref<96x128xi32, #tpu.memory_space<vmem>>) target_semaphore(%run_scoped3A : memref<!tpu.dma_semaphore, #tpu.memory_space<semaphore_mem>>)
      %dma_wait3A = arith.constant 0 : i32
      %dma_wait3A_24 = tpu.memref_slice %arg4[%select_n3A, %dma_wait3A] : memref<2656x128xi32, #tpu.memory_space<hbm>> -> memref<96x128xi32, #tpu.memory_space<hbm>>
      %dma_wait3A_25 = arith.constant 0 : i32
      %dma_wait3A_26 = tpu.memref_slice %arg4[%select_n3A, %dma_wait3A_25] : memref<2656x128xi32, #tpu.memory_space<hbm>> -> memref<96x128xi32, #tpu.memory_space<hbm>>
      tpu.wait_dma2 semaphore(%run_scoped3A : memref<!tpu.dma_semaphore, #tpu.memory_space<semaphore_mem>>) src(%dma_wait3A_26 : memref<96x128xi32, #tpu.memory_space<hbm>>) dst(%arg8 : memref<96x128xi32, #tpu.memory_space<vmem>>)
      tpu.yield
    }) : () -> ()
    %barrier3A = arith.constant 0 : index
    tpu.barrier barrier_id(%barrier3A)
    %while3A = arith.constant 0 : i32
    %while3A_11 = arith.constant 0 : i32
    %while3A_12 = arith.subi %select_n3A_8, %while3A_11 : i32
    %while3A_13 = arith.addi %while3A_11, %while3A_12 : i32
    %while3A_14 = arith.constant 1 : i32
    %while3A_15 = arith.divsi %while3A_12, %while3A_14 : i32
    %while3A_16 = arith.muli %while3A_15, %while3A_14 : i32
    %while3A_17 = arith.addi %while3A_11, %while3A_16 : i32
    %while3A_18 = arith.constant 1 : i32
    scf.for %while3A_21 = %while3A_11 to %while3A_17 step %while3A_18  : i32 {
      %dma_start3A = arith.constant 0 : i32
      %dma_start3A_22 = tpu.memref_slice %arg7[%while3A_21, %dma_start3A] : memref<96x128xi32, #tpu.memory_space<vmem>> -> memref<1x128xi32, #tpu.memory_space<vmem>>
      %dma_start3A_23 = tpu.memref_squeeze %dma_start3A_22 : memref<1x128xi32, #tpu.memory_space<vmem>> -> memref<128xi32, #tpu.memory_space<vmem>>
      %dma_start3A_24 = arith.constant 0 : i32
      %dma_start3A_25 = arith.constant 0 : i32
      %dma_start3A_26 = tpu.memref_slice %arg2[%dma_start3A_24, %dma_start3A_25] : memref<10000x128xf32, #tpu.memory_space<hbm>> -> memref<10000x128xf32, #tpu.memory_space<hbm>>
      tpu.enqueue_indirect_dma source(%dma_start3A_26 : memref<10000x128xf32, #tpu.memory_space<hbm>>) target(%arg9 : memref<128x128xf32, #tpu.memory_space<vmem>>) offsets(%dma_start3A_23 : memref<128xi32, #tpu.memory_space<vmem>>) semaphore(%arg11 : memref<!tpu.dma_semaphore, #tpu.memory_space<semaphore_mem>>)
      %dma_wait3A = arith.constant 0 : i32
      %dma_wait3A_27 = tpu.memref_slice %arg7[%while3A_21, %dma_wait3A] : memref<96x128xi32, #tpu.memory_space<vmem>> -> memref<1x128xi32, #tpu.memory_space<vmem>>
      %dma_wait3A_28 = tpu.memref_squeeze %dma_wait3A_27 : memref<1x128xi32, #tpu.memory_space<vmem>> -> memref<128xi32, #tpu.memory_space<vmem>>
      %dma_wait3A_29 = arith.constant 0 : i32
      %dma_wait3A_30 = arith.constant 0 : i32
      %dma_wait3A_31 = tpu.memref_slice %arg2[%dma_wait3A_29, %dma_wait3A_30] : memref<10000x128xf32, #tpu.memory_space<hbm>> -> memref<10000x128xf32, #tpu.memory_space<hbm>>
      tpu.wait_indirect_dma semaphore(%arg11 : memref<!tpu.dma_semaphore, #tpu.memory_space<semaphore_mem>>) src(%dma_wait3A_31 : memref<10000x128xf32, #tpu.memory_space<hbm>>) dst(%arg9 : memref<128x128xf32, #tpu.memory_space<vmem>>)
      "tpu.region"() ({
        %run_scoped3A = tpu.sem_alloc : memref<!tpu.dma_semaphore, #tpu.memory_space<semaphore_mem>>
        %dma_start3A_32 = arith.constant 0 : i32
        %dma_start3A_33 = tpu.memref_slice %arg8[%while3A_21, %dma_start3A_32] : memref<96x128xi32, #tpu.memory_space<vmem>> -> memref<1x128xi32, #tpu.memory_space<vmem>>
        %dma_start3A_34 = tpu.memref_squeeze %dma_start3A_33 : memref<1x128xi32, #tpu.memory_space<vmem>> -> memref<128xi32, #tpu.memory_space<vmem>>
        %dma_start3A_35 = arith.constant 0 : i32
        %dma_start3A_36 = arith.constant 0 : i32
        %dma_start3A_37 = tpu.memref_slice %arg10[%dma_start3A_35, %dma_start3A_36] : memref<10112x128xf32, #tpu.memory_space<vmem_shared>> -> memref<10112x128xf32, #tpu.memory_space<vmem_shared>>
        tpu.enqueue_indirect_dma source(%arg9 : memref<128x128xf32, #tpu.memory_space<vmem>>) target(%dma_start3A_37 : memref<10112x128xf32, #tpu.memory_space<vmem_shared>>) offsets(%dma_start3A_34 : memref<128xi32, #tpu.memory_space<vmem>>) semaphore(%run_scoped3A : memref<!tpu.dma_semaphore, #tpu.memory_space<semaphore_mem>>) {add = true}
        %dma_wait3A_38 = arith.constant 0 : i32
        %dma_wait3A_39 = tpu.memref_slice %arg8[%while3A_21, %dma_wait3A_38] : memref<96x128xi32, #tpu.memory_space<vmem>> -> memref<1x128xi32, #tpu.memory_space<vmem>>
        %dma_wait3A_40 = tpu.memref_squeeze %dma_wait3A_39 : memref<1x128xi32, #tpu.memory_space<vmem>> -> memref<128xi32, #tpu.memory_space<vmem>>
        %dma_wait3A_41 = arith.constant 0 : i32
        %dma_wait3A_42 = arith.constant 0 : i32
        %dma_wait3A_43 = tpu.memref_slice %arg10[%dma_wait3A_41, %dma_wait3A_42] : memref<10112x128xf32, #tpu.memory_space<vmem_shared>> -> memref<10112x128xf32, #tpu.memory_space<vmem_shared>>
        tpu.wait_indirect_dma semaphore(%run_scoped3A : memref<!tpu.dma_semaphore, #tpu.memory_space<semaphore_mem>>) src(%arg9 : memref<128x128xf32, #tpu.memory_space<vmem>>) dst(%dma_wait3A_43 : memref<10112x128xf32, #tpu.memory_space<vmem_shared>>)
        tpu.yield
      }) : () -> ()
    }
    %while3A_19 = arith.constant 1 : i32
    scf.for %while3A_21 = %while3A_17 to %while3A_13 step %while3A_19  : i32 {
      %dma_start3A = arith.constant 0 : i32
      %dma_start3A_22 = tpu.memref_slice %arg7[%while3A_21, %dma_start3A] : memref<96x128xi32, #tpu.memory_space<vmem>> -> memref<1x128xi32, #tpu.memory_space<vmem>>
      %dma_start3A_23 = tpu.memref_squeeze %dma_start3A_22 : memref<1x128xi32, #tpu.memory_space<vmem>> -> memref<128xi32, #tpu.memory_space<vmem>>
      %dma_start3A_24 = arith.constant 0 : i32
      %dma_start3A_25 = arith.constant 0 : i32
      %dma_start3A_26 = tpu.memref_slice %arg2[%dma_start3A_24, %dma_start3A_25] : memref<10000x128xf32, #tpu.memory_space<hbm>> -> memref<10000x128xf32, #tpu.memory_space<hbm>>
      tpu.enqueue_indirect_dma source(%dma_start3A_26 : memref<10000x128xf32, #tpu.memory_space<hbm>>) target(%arg9 : memref<128x128xf32, #tpu.memory_space<vmem>>) offsets(%dma_start3A_23 : memref<128xi32, #tpu.memory_space<vmem>>) semaphore(%arg11 : memref<!tpu.dma_semaphore, #tpu.memory_space<semaphore_mem>>)
      %dma_wait3A = arith.constant 0 : i32
      %dma_wait3A_27 = tpu.memref_slice %arg7[%while3A_21, %dma_wait3A] : memref<96x128xi32, #tpu.memory_space<vmem>> -> memref<1x128xi32, #tpu.memory_space<vmem>>
      %dma_wait3A_28 = tpu.memref_squeeze %dma_wait3A_27 : memref<1x128xi32, #tpu.memory_space<vmem>> -> memref<128xi32, #tpu.memory_space<vmem>>
      %dma_wait3A_29 = arith.constant 0 : i32
      %dma_wait3A_30 = arith.constant 0 : i32
      %dma_wait3A_31 = tpu.memref_slice %arg2[%dma_wait3A_29, %dma_wait3A_30] : memref<10000x128xf32, #tpu.memory_space<hbm>> -> memref<10000x128xf32, #tpu.memory_space<hbm>>
      tpu.wait_indirect_dma semaphore(%arg11 : memref<!tpu.dma_semaphore, #tpu.memory_space<semaphore_mem>>) src(%dma_wait3A_31 : memref<10000x128xf32, #tpu.memory_space<hbm>>) dst(%arg9 : memref<128x128xf32, #tpu.memory_space<vmem>>)
      "tpu.region"() ({
        %run_scoped3A = tpu.sem_alloc : memref<!tpu.dma_semaphore, #tpu.memory_space<semaphore_mem>>
        %dma_start3A_32 = arith.constant 0 : i32
        %dma_start3A_33 = tpu.memref_slice %arg8[%while3A_21, %dma_start3A_32] : memref<96x128xi32, #tpu.memory_space<vmem>> -> memref<1x128xi32, #tpu.memory_space<vmem>>
        %dma_start3A_34 = tpu.memref_squeeze %dma_start3A_33 : memref<1x128xi32, #tpu.memory_space<vmem>> -> memref<128xi32, #tpu.memory_space<vmem>>
        %dma_start3A_35 = arith.constant 0 : i32
        %dma_start3A_36 = arith.constant 0 : i32
        %dma_start3A_37 = tpu.memref_slice %arg10[%dma_start3A_35, %dma_start3A_36] : memref<10112x128xf32, #tpu.memory_space<vmem_shared>> -> memref<10112x128xf32, #tpu.memory_space<vmem_shared>>
        tpu.enqueue_indirect_dma source(%arg9 : memref<128x128xf32, #tpu.memory_space<vmem>>) target(%dma_start3A_37 : memref<10112x128xf32, #tpu.memory_space<vmem_shared>>) offsets(%dma_start3A_34 : memref<128xi32, #tpu.memory_space<vmem>>) semaphore(%run_scoped3A : memref<!tpu.dma_semaphore, #tpu.memory_space<semaphore_mem>>) {add = true}
        %dma_wait3A_38 = arith.constant 0 : i32
        %dma_wait3A_39 = tpu.memref_slice %arg8[%while3A_21, %dma_wait3A_38] : memref<96x128xi32, #tpu.memory_space<vmem>> -> memref<1x128xi32, #tpu.memory_space<vmem>>
        %dma_wait3A_40 = tpu.memref_squeeze %dma_wait3A_39 : memref<1x128xi32, #tpu.memory_space<vmem>> -> memref<128xi32, #tpu.memory_space<vmem>>
        %dma_wait3A_41 = arith.constant 0 : i32
        %dma_wait3A_42 = arith.constant 0 : i32
        %dma_wait3A_43 = tpu.memref_slice %arg10[%dma_wait3A_41, %dma_wait3A_42] : memref<10112x128xf32, #tpu.memory_space<vmem_shared>> -> memref<10112x128xf32, #tpu.memory_space<vmem_shared>>
        tpu.wait_indirect_dma semaphore(%run_scoped3A : memref<!tpu.dma_semaphore, #tpu.memory_space<semaphore_mem>>) src(%arg9 : memref<128x128xf32, #tpu.memory_space<vmem>>) dst(%dma_wait3A_43 : memref<10112x128xf32, #tpu.memory_space<vmem_shared>>)
        tpu.yield
      }) : () -> ()
    }
    %barrier3A_20 = arith.constant 0 : index
    tpu.barrier barrier_id(%barrier3A_20)
    "tpu.region"() ({
      %run_scoped3A = tpu.sem_alloc : memref<!tpu.dma_semaphore, #tpu.memory_space<semaphore_mem>>
      %dma_start3A = arith.constant 0 : i32
      %dma_start3A_21 = tpu.memref_slice %arg6[%arg0, %mul3A_10, %dma_start3A] : memref<2x10112x128xf32, #tpu.memory_space<hbm>> -> memref<1x632x128xf32, #tpu.memory_space<hbm>>
      %dma_start3A_22 = tpu.memref_squeeze %dma_start3A_21 : memref<1x632x128xf32, #tpu.memory_space<hbm>> -> memref<632x128xf32, #tpu.memory_space<hbm>>
      %dma_start3A_23 = arith.constant 0 : i32
      %dma_start3A_24 = tpu.memref_slice %arg10[%mul3A_10, %dma_start3A_23] : memref<10112x128xf32, #tpu.memory_space<vmem_shared>> -> memref<632x128xf32, #tpu.memory_space<vmem_shared>>
      tpu.enqueue_dma source(%dma_start3A_24 : memref<632x128xf32, #tpu.memory_space<vmem_shared>>) target(%dma_start3A_22 : memref<632x128xf32, #tpu.memory_space<hbm>>) target_semaphore(%run_scoped3A : memref<!tpu.dma_semaphore, #tpu.memory_space<semaphore_mem>>)
      %dma_wait3A = arith.constant 0 : i32
      %dma_wait3A_25 = tpu.memref_slice %arg6[%arg0, %mul3A_10, %dma_wait3A] : memref<2x10112x128xf32, #tpu.memory_space<hbm>> -> memref<1x632x128xf32, #tpu.memory_space<hbm>>
      %dma_wait3A_26 = tpu.memref_squeeze %dma_wait3A_25 : memref<1x632x128xf32, #tpu.memory_space<hbm>> -> memref<632x128xf32, #tpu.memory_space<hbm>>
      %dma_wait3A_27 = arith.constant 0 : i32
      %dma_wait3A_28 = tpu.memref_slice %arg10[%mul3A_10, %dma_wait3A_27] : memref<10112x128xf32, #tpu.memory_space<vmem_shared>> -> memref<632x128xf32, #tpu.memory_space<vmem_shared>>
      tpu.wait_dma2 semaphore(%run_scoped3A : memref<!tpu.dma_semaphore, #tpu.memory_space<semaphore_mem>>) src(%dma_wait3A_28 : memref<632x128xf32, #tpu.memory_space<vmem_shared>>) dst(%dma_wait3A_26 : memref<632x128xf32, #tpu.memory_space<hbm>>)
      tpu.yield
    }) : () -> ()
    return
  }
}

#map = affine_map<(d0, d1) -> (0, 0)>
#map1 = affine_map<(d0, d1) -> (0, 0, 0)>
module attributes {stable_mosaic.version = 14 : i64} {
  func.func @agg_kernel(%arg0: i32, %arg1: i32, %arg2: memref<10000x128xf32, #tpu.memory_space<hbm>>, %arg3: memref<2656x128xi32, #tpu.memory_space<hbm>>, %arg4: memref<2656x128xi32, #tpu.memory_space<hbm>>, %arg5: memref<10112x128xf32, #tpu.memory_space<hbm>>, %arg6: memref<2x10112x128xf32, #tpu.memory_space<hbm>>, %arg7: memref<96x128xi32, #tpu.memory_space<vmem>>, %arg8: memref<96x128xi32, #tpu.memory_space<vmem>>, %arg9: memref<128x128xf32, #tpu.memory_space<vmem>>, %arg10: memref<10112x128xf32, #tpu.memory_space<vmem_shared>>, %arg11: memref<!tpu.dma_semaphore, #tpu.memory_space<semaphore_mem>>) attributes {dimension_semantics = [#tpu.dimension_semantics<core_parallel>, #tpu.dimension_semantics<subcore_parallel>], iteration_bounds = array<i64: 2, 16>, scalar_prefetch = 0 : i64, scratch_operands = 5 : i64, tpu.core_type = #tpu.core_type<sc_vector_subcore>, window_params = [{transform_indices = #map}, {transform_indices = #map}, {transform_indices = #map}, {transform_indices = #map}, {transform_indices = #map1}]} {
    %eq3A = arith.constant 0 : i32
    %eq3A_0 = arith.cmpi eq, %arg0, %eq3A : i32
    %mul3A = arith.constant 96 : i32
    %mul3A_1 = arith.muli %arg1, %mul3A : i32
    %mul3A_2 = arith.constant 64 : i32
    %mul3A_3 = arith.muli %arg1, %mul3A_2 : i32
    %add3A = arith.constant 1536 : i32
    %add3A_4 = arith.addi %add3A, %mul3A_3 : i32
    %select_n3A = arith.select %eq3A_0, %mul3A_1, %add3A_4 : i32
    %eq3A_5 = arith.constant 0 : i32
    %eq3A_6 = arith.cmpi eq, %arg0, %eq3A_5 : i32
    %jit3A = arith.constant 96 : i32
    %jit3A_7 = arith.constant 64 : i32
    %select_n3A_8 = arith.select %eq3A_6, %jit3A, %jit3A_7 : i32
    %mul3A_9 = arith.constant 632 : i32
    %mul3A_10 = arith.muli %arg1, %mul3A_9 : i32
    "tpu.region"() ({
      %run_scoped3A = tpu.sem_alloc : memref<!tpu.dma_semaphore, #tpu.memory_space<semaphore_mem>>
      %dma_start3A = arith.constant 0 : i32
      %dma_start3A_21 = tpu.memref_slice %arg10[%mul3A_10, %dma_start3A] : memref<10112x128xf32, #tpu.memory_space<vmem_shared>> -> memref<632x128xf32, #tpu.memory_space<vmem_shared>>
      %dma_start3A_22 = arith.constant 0 : i32
      %dma_start3A_23 = tpu.memref_slice %arg5[%mul3A_10, %dma_start3A_22] : memref<10112x128xf32, #tpu.memory_space<hbm>> -> memref<632x128xf32, #tpu.memory_space<hbm>>
      tpu.enqueue_dma source(%dma_start3A_23 : memref<632x128xf32, #tpu.memory_space<hbm>>) target(%dma_start3A_21 : memref<632x128xf32, #tpu.memory_space<vmem_shared>>) target_semaphore(%run_scoped3A : memref<!tpu.dma_semaphore, #tpu.memory_space<semaphore_mem>>)
      %dma_wait3A = arith.constant 0 : i32
      %dma_wait3A_24 = tpu.memref_slice %arg10[%mul3A_10, %dma_wait3A] : memref<10112x128xf32, #tpu.memory_space<vmem_shared>> -> memref<632x128xf32, #tpu.memory_space<vmem_shared>>
      %dma_wait3A_25 = arith.constant 0 : i32
      %dma_wait3A_26 = tpu.memref_slice %arg5[%mul3A_10, %dma_wait3A_25] : memref<10112x128xf32, #tpu.memory_space<hbm>> -> memref<632x128xf32, #tpu.memory_space<hbm>>
      tpu.wait_dma2 semaphore(%run_scoped3A : memref<!tpu.dma_semaphore, #tpu.memory_space<semaphore_mem>>) src(%dma_wait3A_26 : memref<632x128xf32, #tpu.memory_space<hbm>>) dst(%dma_wait3A_24 : memref<632x128xf32, #tpu.memory_space<vmem_shared>>)
      tpu.yield
    }) : () -> ()
    "tpu.region"() ({
      %run_scoped3A = tpu.sem_alloc : memref<!tpu.dma_semaphore, #tpu.memory_space<semaphore_mem>>
      %dma_start3A = arith.constant 0 : i32
      %dma_start3A_21 = tpu.memref_slice %arg3[%select_n3A, %dma_start3A] : memref<2656x128xi32, #tpu.memory_space<hbm>> -> memref<96x128xi32, #tpu.memory_space<hbm>>
      %dma_start3A_22 = arith.constant 0 : i32
      %dma_start3A_23 = tpu.memref_slice %arg3[%select_n3A, %dma_start3A_22] : memref<2656x128xi32, #tpu.memory_space<hbm>> -> memref<96x128xi32, #tpu.memory_space<hbm>>
      tpu.enqueue_dma source(%dma_start3A_23 : memref<96x128xi32, #tpu.memory_space<hbm>>) target(%arg7 : memref<96x128xi32, #tpu.memory_space<vmem>>) target_semaphore(%run_scoped3A : memref<!tpu.dma_semaphore, #tpu.memory_space<semaphore_mem>>)
      %dma_wait3A = arith.constant 0 : i32
      %dma_wait3A_24 = tpu.memref_slice %arg3[%select_n3A, %dma_wait3A] : memref<2656x128xi32, #tpu.memory_space<hbm>> -> memref<96x128xi32, #tpu.memory_space<hbm>>
      %dma_wait3A_25 = arith.constant 0 : i32
      %dma_wait3A_26 = tpu.memref_slice %arg3[%select_n3A, %dma_wait3A_25] : memref<2656x128xi32, #tpu.memory_space<hbm>> -> memref<96x128xi32, #tpu.memory_space<hbm>>
      tpu.wait_dma2 semaphore(%run_scoped3A : memref<!tpu.dma_semaphore, #tpu.memory_space<semaphore_mem>>) src(%dma_wait3A_26 : memref<96x128xi32, #tpu.memory_space<hbm>>) dst(%arg7 : memref<96x128xi32, #tpu.memory_space<vmem>>)
      tpu.yield
    }) : () -> ()
    "tpu.region"() ({
      %run_scoped3A = tpu.sem_alloc : memref<!tpu.dma_semaphore, #tpu.memory_space<semaphore_mem>>
      %dma_start3A = arith.constant 0 : i32
      %dma_start3A_21 = tpu.memref_slice %arg4[%select_n3A, %dma_start3A] : memref<2656x128xi32, #tpu.memory_space<hbm>> -> memref<96x128xi32, #tpu.memory_space<hbm>>
      %dma_start3A_22 = arith.constant 0 : i32
      %dma_start3A_23 = tpu.memref_slice %arg4[%select_n3A, %dma_start3A_22] : memref<2656x128xi32, #tpu.memory_space<hbm>> -> memref<96x128xi32, #tpu.memory_space<hbm>>
      tpu.enqueue_dma source(%dma_start3A_23 : memref<96x128xi32, #tpu.memory_space<hbm>>) target(%arg8 : memref<96x128xi32, #tpu.memory_space<vmem>>) target_semaphore(%run_scoped3A : memref<!tpu.dma_semaphore, #tpu.memory_space<semaphore_mem>>)
      %dma_wait3A = arith.constant 0 : i32
      %dma_wait3A_24 = tpu.memref_slice %arg4[%select_n3A, %dma_wait3A] : memref<2656x128xi32, #tpu.memory_space<hbm>> -> memref<96x128xi32, #tpu.memory_space<hbm>>
      %dma_wait3A_25 = arith.constant 0 : i32
      %dma_wait3A_26 = tpu.memref_slice %arg4[%select_n3A, %dma_wait3A_25] : memref<2656x128xi32, #tpu.memory_space<hbm>> -> memref<96x128xi32, #tpu.memory_space<hbm>>
      tpu.wait_dma2 semaphore(%run_scoped3A : memref<!tpu.dma_semaphore, #tpu.memory_space<semaphore_mem>>) src(%dma_wait3A_26 : memref<96x128xi32, #tpu.memory_space<hbm>>) dst(%arg8 : memref<96x128xi32, #tpu.memory_space<vmem>>)
      tpu.yield
    }) : () -> ()
    %barrier3A = arith.constant 0 : index
    tpu.barrier barrier_id(%barrier3A)
    %while3A = arith.constant 0 : i32
    %while3A_11 = arith.constant 0 : i32
    %while3A_12 = arith.subi %select_n3A_8, %while3A_11 : i32
    %while3A_13 = arith.addi %while3A_11, %while3A_12 : i32
    %while3A_14 = arith.constant 1 : i32
    %while3A_15 = arith.divsi %while3A_12, %while3A_14 : i32
    %while3A_16 = arith.muli %while3A_15, %while3A_14 : i32
    %while3A_17 = arith.addi %while3A_11, %while3A_16 : i32
    %while3A_18 = arith.constant 1 : i32
    scf.for %while3A_21 = %while3A_11 to %while3A_17 step %while3A_18  : i32 {
      %dma_start3A = arith.constant 0 : i32
      %dma_start3A_22 = tpu.memref_slice %arg7[%while3A_21, %dma_start3A] : memref<96x128xi32, #tpu.memory_space<vmem>> -> memref<1x128xi32, #tpu.memory_space<vmem>>
      %dma_start3A_23 = tpu.memref_squeeze %dma_start3A_22 : memref<1x128xi32, #tpu.memory_space<vmem>> -> memref<128xi32, #tpu.memory_space<vmem>>
      %dma_start3A_24 = arith.constant 0 : i32
      %dma_start3A_25 = arith.constant 0 : i32
      %dma_start3A_26 = tpu.memref_slice %arg2[%dma_start3A_24, %dma_start3A_25] : memref<10000x128xf32, #tpu.memory_space<hbm>> -> memref<10000x128xf32, #tpu.memory_space<hbm>>
      tpu.enqueue_indirect_dma source(%dma_start3A_26 : memref<10000x128xf32, #tpu.memory_space<hbm>>) target(%arg9 : memref<128x128xf32, #tpu.memory_space<vmem>>) offsets(%dma_start3A_23 : memref<128xi32, #tpu.memory_space<vmem>>) semaphore(%arg11 : memref<!tpu.dma_semaphore, #tpu.memory_space<semaphore_mem>>)
      %dma_wait3A = arith.constant 0 : i32
      %dma_wait3A_27 = tpu.memref_slice %arg7[%while3A_21, %dma_wait3A] : memref<96x128xi32, #tpu.memory_space<vmem>> -> memref<1x128xi32, #tpu.memory_space<vmem>>
      %dma_wait3A_28 = tpu.memref_squeeze %dma_wait3A_27 : memref<1x128xi32, #tpu.memory_space<vmem>> -> memref<128xi32, #tpu.memory_space<vmem>>
      %dma_wait3A_29 = arith.constant 0 : i32
      %dma_wait3A_30 = arith.constant 0 : i32
      %dma_wait3A_31 = tpu.memref_slice %arg2[%dma_wait3A_29, %dma_wait3A_30] : memref<10000x128xf32, #tpu.memory_space<hbm>> -> memref<10000x128xf32, #tpu.memory_space<hbm>>
      tpu.wait_indirect_dma semaphore(%arg11 : memref<!tpu.dma_semaphore, #tpu.memory_space<semaphore_mem>>) src(%dma_wait3A_31 : memref<10000x128xf32, #tpu.memory_space<hbm>>) dst(%arg9 : memref<128x128xf32, #tpu.memory_space<vmem>>)
      "tpu.region"() ({
        %run_scoped3A = tpu.sem_alloc : memref<!tpu.dma_semaphore, #tpu.memory_space<semaphore_mem>>
        %dma_start3A_32 = arith.constant 0 : i32
        %dma_start3A_33 = tpu.memref_slice %arg8[%while3A_21, %dma_start3A_32] : memref<96x128xi32, #tpu.memory_space<vmem>> -> memref<1x128xi32, #tpu.memory_space<vmem>>
        %dma_start3A_34 = tpu.memref_squeeze %dma_start3A_33 : memref<1x128xi32, #tpu.memory_space<vmem>> -> memref<128xi32, #tpu.memory_space<vmem>>
        %dma_start3A_35 = arith.constant 0 : i32
        %dma_start3A_36 = arith.constant 0 : i32
        %dma_start3A_37 = tpu.memref_slice %arg10[%dma_start3A_35, %dma_start3A_36] : memref<10112x128xf32, #tpu.memory_space<vmem_shared>> -> memref<10112x128xf32, #tpu.memory_space<vmem_shared>>
        tpu.enqueue_indirect_dma source(%arg9 : memref<128x128xf32, #tpu.memory_space<vmem>>) target(%dma_start3A_37 : memref<10112x128xf32, #tpu.memory_space<vmem_shared>>) offsets(%dma_start3A_34 : memref<128xi32, #tpu.memory_space<vmem>>) semaphore(%run_scoped3A : memref<!tpu.dma_semaphore, #tpu.memory_space<semaphore_mem>>) {add = true}
        %dma_wait3A_38 = arith.constant 0 : i32
        %dma_wait3A_39 = tpu.memref_slice %arg8[%while3A_21, %dma_wait3A_38] : memref<96x128xi32, #tpu.memory_space<vmem>> -> memref<1x128xi32, #tpu.memory_space<vmem>>
        %dma_wait3A_40 = tpu.memref_squeeze %dma_wait3A_39 : memref<1x128xi32, #tpu.memory_space<vmem>> -> memref<128xi32, #tpu.memory_space<vmem>>
        %dma_wait3A_41 = arith.constant 0 : i32
        %dma_wait3A_42 = arith.constant 0 : i32
        %dma_wait3A_43 = tpu.memref_slice %arg10[%dma_wait3A_41, %dma_wait3A_42] : memref<10112x128xf32, #tpu.memory_space<vmem_shared>> -> memref<10112x128xf32, #tpu.memory_space<vmem_shared>>
        tpu.wait_indirect_dma semaphore(%run_scoped3A : memref<!tpu.dma_semaphore, #tpu.memory_space<semaphore_mem>>) src(%arg9 : memref<128x128xf32, #tpu.memory_space<vmem>>) dst(%dma_wait3A_43 : memref<10112x128xf32, #tpu.memory_space<vmem_shared>>)
        tpu.yield
      }) : () -> ()
    }
    %while3A_19 = arith.constant 1 : i32
    scf.for %while3A_21 = %while3A_17 to %while3A_13 step %while3A_19  : i32 {
      %dma_start3A = arith.constant 0 : i32
      %dma_start3A_22 = tpu.memref_slice %arg7[%while3A_21, %dma_start3A] : memref<96x128xi32, #tpu.memory_space<vmem>> -> memref<1x128xi32, #tpu.memory_space<vmem>>
      %dma_start3A_23 = tpu.memref_squeeze %dma_start3A_22 : memref<1x128xi32, #tpu.memory_space<vmem>> -> memref<128xi32, #tpu.memory_space<vmem>>
      %dma_start3A_24 = arith.constant 0 : i32
      %dma_start3A_25 = arith.constant 0 : i32
      %dma_start3A_26 = tpu.memref_slice %arg2[%dma_start3A_24, %dma_start3A_25] : memref<10000x128xf32, #tpu.memory_space<hbm>> -> memref<10000x128xf32, #tpu.memory_space<hbm>>
      tpu.enqueue_indirect_dma source(%dma_start3A_26 : memref<10000x128xf32, #tpu.memory_space<hbm>>) target(%arg9 : memref<128x128xf32, #tpu.memory_space<vmem>>) offsets(%dma_start3A_23 : memref<128xi32, #tpu.memory_space<vmem>>) semaphore(%arg11 : memref<!tpu.dma_semaphore, #tpu.memory_space<semaphore_mem>>)
      %dma_wait3A = arith.constant 0 : i32
      %dma_wait3A_27 = tpu.memref_slice %arg7[%while3A_21, %dma_wait3A] : memref<96x128xi32, #tpu.memory_space<vmem>> -> memref<1x128xi32, #tpu.memory_space<vmem>>
      %dma_wait3A_28 = tpu.memref_squeeze %dma_wait3A_27 : memref<1x128xi32, #tpu.memory_space<vmem>> -> memref<128xi32, #tpu.memory_space<vmem>>
      %dma_wait3A_29 = arith.constant 0 : i32
      %dma_wait3A_30 = arith.constant 0 : i32
      %dma_wait3A_31 = tpu.memref_slice %arg2[%dma_wait3A_29, %dma_wait3A_30] : memref<10000x128xf32, #tpu.memory_space<hbm>> -> memref<10000x128xf32, #tpu.memory_space<hbm>>
      tpu.wait_indirect_dma semaphore(%arg11 : memref<!tpu.dma_semaphore, #tpu.memory_space<semaphore_mem>>) src(%dma_wait3A_31 : memref<10000x128xf32, #tpu.memory_space<hbm>>) dst(%arg9 : memref<128x128xf32, #tpu.memory_space<vmem>>)
      "tpu.region"() ({
        %run_scoped3A = tpu.sem_alloc : memref<!tpu.dma_semaphore, #tpu.memory_space<semaphore_mem>>
        %dma_start3A_32 = arith.constant 0 : i32
        %dma_start3A_33 = tpu.memref_slice %arg8[%while3A_21, %dma_start3A_32] : memref<96x128xi32, #tpu.memory_space<vmem>> -> memref<1x128xi32, #tpu.memory_space<vmem>>
        %dma_start3A_34 = tpu.memref_squeeze %dma_start3A_33 : memref<1x128xi32, #tpu.memory_space<vmem>> -> memref<128xi32, #tpu.memory_space<vmem>>
        %dma_start3A_35 = arith.constant 0 : i32
        %dma_start3A_36 = arith.constant 0 : i32
        %dma_start3A_37 = tpu.memref_slice %arg10[%dma_start3A_35, %dma_start3A_36] : memref<10112x128xf32, #tpu.memory_space<vmem_shared>> -> memref<10112x128xf32, #tpu.memory_space<vmem_shared>>
        tpu.enqueue_indirect_dma source(%arg9 : memref<128x128xf32, #tpu.memory_space<vmem>>) target(%dma_start3A_37 : memref<10112x128xf32, #tpu.memory_space<vmem_shared>>) offsets(%dma_start3A_34 : memref<128xi32, #tpu.memory_space<vmem>>) semaphore(%run_scoped3A : memref<!tpu.dma_semaphore, #tpu.memory_space<semaphore_mem>>) {add = true}
        %dma_wait3A_38 = arith.constant 0 : i32
        %dma_wait3A_39 = tpu.memref_slice %arg8[%while3A_21, %dma_wait3A_38] : memref<96x128xi32, #tpu.memory_space<vmem>> -> memref<1x128xi32, #tpu.memory_space<vmem>>
        %dma_wait3A_40 = tpu.memref_squeeze %dma_wait3A_39 : memref<1x128xi32, #tpu.memory_space<vmem>> -> memref<128xi32, #tpu.memory_space<vmem>>
        %dma_wait3A_41 = arith.constant 0 : i32
        %dma_wait3A_42 = arith.constant 0 : i32
        %dma_wait3A_43 = tpu.memref_slice %arg10[%dma_wait3A_41, %dma_wait3A_42] : memref<10112x128xf32, #tpu.memory_space<vmem_shared>> -> memref<10112x128xf32, #tpu.memory_space<vmem_shared>>
        tpu.wait_indirect_dma semaphore(%run_scoped3A : memref<!tpu.dma_semaphore, #tpu.memory_space<semaphore_mem>>) src(%arg9 : memref<128x128xf32, #tpu.memory_space<vmem>>) dst(%dma_wait3A_43 : memref<10112x128xf32, #tpu.memory_space<vmem_shared>>)
        tpu.yield
      }) : () -> ()
    }
    %barrier3A_20 = arith.constant 0 : index
    tpu.barrier barrier_id(%barrier3A_20)
    "tpu.region"() ({
      %run_scoped3A = tpu.sem_alloc : memref<!tpu.dma_semaphore, #tpu.memory_space<semaphore_mem>>
      %dma_start3A = arith.constant 0 : i32
      %dma_start3A_21 = tpu.memref_slice %arg6[%arg0, %mul3A_10, %dma_start3A] : memref<2x10112x128xf32, #tpu.memory_space<hbm>> -> memref<1x632x128xf32, #tpu.memory_space<hbm>>
      %dma_start3A_22 = tpu.memref_squeeze %dma_start3A_21 : memref<1x632x128xf32, #tpu.memory_space<hbm>> -> memref<632x128xf32, #tpu.memory_space<hbm>>
      %dma_start3A_23 = arith.constant 0 : i32
      %dma_start3A_24 = tpu.memref_slice %arg10[%mul3A_10, %dma_start3A_23] : memref<10112x128xf32, #tpu.memory_space<vmem_shared>> -> memref<632x128xf32, #tpu.memory_space<vmem_shared>>
      tpu.enqueue_dma source(%dma_start3A_24 : memref<632x128xf32, #tpu.memory_space<vmem_shared>>) target(%dma_start3A_22 : memref<632x128xf32, #tpu.memory_space<hbm>>) target_semaphore(%run_scoped3A : memref<!tpu.dma_semaphore, #tpu.memory_space<semaphore_mem>>)
      %dma_wait3A = arith.constant 0 : i32
      %dma_wait3A_25 = tpu.memref_slice %arg6[%arg0, %mul3A_10, %dma_wait3A] : memref<2x10112x128xf32, #tpu.memory_space<hbm>> -> memref<1x632x128xf32, #tpu.memory_space<hbm>>
      %dma_wait3A_26 = tpu.memref_squeeze %dma_wait3A_25 : memref<1x632x128xf32, #tpu.memory_space<hbm>> -> memref<632x128xf32, #tpu.memory_space<hbm>>
      %dma_wait3A_27 = arith.constant 0 : i32
      %dma_wait3A_28 = tpu.memref_slice %arg10[%mul3A_10, %dma_wait3A_27] : memref<10112x128xf32, #tpu.memory_space<vmem_shared>> -> memref<632x128xf32, #tpu.memory_space<vmem_shared>>
      tpu.wait_dma2 semaphore(%run_scoped3A : memref<!tpu.dma_semaphore, #tpu.memory_space<semaphore_mem>>) src(%dma_wait3A_28 : memref<632x128xf32, #tpu.memory_space<vmem_shared>>) dst(%dma_wait3A_26 : memref<632x128xf32, #tpu.memory_space<hbm>>)
      tpu.yield
    }) : () -> ()
    return
  }
}

module attributes {stable_mosaic.version = 14 : i64} {
  func.func @_t0_body(%arg0: i32, %arg1: memref<1000x128xf32, #tpu.memory_space<vmem>>, %arg2: memref<128x128xf32, #tpu.memory_space<vmem>>, %arg3: memref<1000x1xf32, #tpu.memory_space<vmem>>, %arg4: memref<1000x1xf32, #tpu.memory_space<vmem>>, %arg5: memref<1000x128xf32, #tpu.memory_space<vmem>>, %arg6: memref<1000x128xf32, #tpu.memory_space<vmem>>, %arg7: memref<1000x1xf32, #tpu.memory_space<vmem>>) attributes {dimension_semantics = [#tpu.dimension_semantics<arbitrary>], iteration_bounds = array<i64: 10>, scalar_prefetch = 0 : i64, scratch_operands = 0 : i64, tpu.core_type = #tpu.core_type<tc>, window_params = [{transform_indices = @transform_0, window_bounds = array<i64: 1000, 128>}, {pipeline_mode = #tpu.pipeline_mode<synchronous>, transform_indices = @transform_1, window_bounds = array<i64: 128, 128>}, {transform_indices = @transform_2, window_bounds = array<i64: 1000, 1>}, {transform_indices = @transform_3, window_bounds = array<i64: 1000, 1>}, {transform_indices = @transform_4, window_bounds = array<i64: 1000, 128>}, {transform_indices = @transform_5, window_bounds = array<i64: 1000, 128>}, {transform_indices = @transform_6, window_bounds = array<i64: 1000, 1>}]} {
    %get3A = arith.constant 0 : index
    %get3A_0 = arith.constant 0 : index
    %get3A_1 = vector.load %arg3[%get3A, %get3A_0] : memref<1000x1xf32, #tpu.memory_space<vmem>>, vector<1000x1xf32>
    %add3A = arith.constant 1.000000e+00 : f32
    %add3A_2 = vector.broadcast %add3A : f32 to vector<1000x1xf32>
    %add3A_3 = arith.addf %add3A_2, %get3A_1 : vector<1000x1xf32>
    %get3A_4 = arith.constant 0 : index
    %get3A_5 = arith.constant 0 : index
    %get3A_6 = vector.load %arg4[%get3A_4, %get3A_5] : memref<1000x1xf32, #tpu.memory_space<vmem>>, vector<1000x1xf32>
    %add3A_7 = arith.addf %add3A_3, %get3A_6 : vector<1000x1xf32>
    %rsqrt3A = math.rsqrt %add3A_7 : vector<1000x1xf32>
    %get3A_8 = arith.constant 0 : index
    %get3A_9 = arith.constant 0 : index
    %get3A_10 = vector.load %arg1[%get3A_8, %get3A_9] : memref<1000x128xf32, #tpu.memory_space<vmem>>, vector<1000x128xf32>
    %get3A_11 = arith.constant 0 : index
    %get3A_12 = arith.constant 0 : index
    %get3A_13 = vector.load %arg2[%get3A_11, %get3A_12] : memref<128x128xf32, #tpu.memory_space<vmem>>, vector<128x128xf32>
    %dot_general3A = arith.constant dense<0.000000e+00> : vector<1000x128xf32>
    %dot_general3A_14 = tpu.matmul %get3A_10, %get3A_13, %dot_general3A {dimension_numbers = #tpu.dot_dimension_numbers<[1], [0], [0], [1], [0, 0, 1, 1], [], []>, transpose_lhs_hint = false} : vector<1000x128xf32>, vector<128x128xf32>, vector<1000x128xf32> -> vector<1000x128xf32>
    %swap3A = arith.constant 0 : index
    %swap3A_15 = arith.constant 0 : index
    %swap3A_16 = vector.load %arg5[%swap3A, %swap3A_15] : memref<1000x128xf32, #tpu.memory_space<vmem>>, vector<1000x128xf32>
    tpu.vector_store %arg5[%swap3A, %swap3A_15], %dot_general3A_14 {strides = array<i32>} : memref<1000x128xf32, #tpu.memory_space<vmem>>, vector<1000x128xf32>,
    %mul3A = vector.broadcast %rsqrt3A : vector<1000x1xf32> to vector<1000x128xf32>
    %mul3A_17 = arith.mulf %dot_general3A_14, %mul3A : vector<1000x128xf32>
    %swap3A_18 = arith.constant 0 : index
    %swap3A_19 = arith.constant 0 : index
    %swap3A_20 = vector.load %arg6[%swap3A_18, %swap3A_19] : memref<1000x128xf32, #tpu.memory_space<vmem>>, vector<1000x128xf32>
    tpu.vector_store %arg6[%swap3A_18, %swap3A_19], %mul3A_17 {strides = array<i32>} : memref<1000x128xf32, #tpu.memory_space<vmem>>, vector<1000x128xf32>,
    %swap3A_21 = arith.constant 0 : index
    %swap3A_22 = arith.constant 0 : index
    %swap3A_23 = vector.load %arg7[%swap3A_21, %swap3A_22] : memref<1000x1xf32, #tpu.memory_space<vmem>>, vector<1000x1xf32>
    tpu.vector_store %arg7[%swap3A_21, %swap3A_22], %rsqrt3A {strides = array<i32>} : memref<1000x1xf32, #tpu.memory_space<vmem>>, vector<1000x1xf32>,
    return
  }
  func.func @transform_0(%arg0: i32) -> (i32, i32) {
    %c0_i32 = arith.constant 0 : i32
    %c0_i32_0 = arith.constant 0 : i32
    return %arg0, %c0_i32 : i32, i32
  }
  func.func @transform_1(%arg0: i32) -> (i32, i32) {
    %c0_i32 = arith.constant 0 : i32
    %c0_i32_0 = arith.constant 0 : i32
    %c0_i32_1 = arith.constant 0 : i32
    return %c0_i32, %c0_i32_0 : i32, i32
  }
  func.func @transform_2(%arg0: i32) -> (i32, i32) {
    %c0_i32 = arith.constant 0 : i32
    %c0_i32_0 = arith.constant 0 : i32
    return %arg0, %c0_i32 : i32, i32
  }
  func.func @transform_3(%arg0: i32) -> (i32, i32) {
    %c0_i32 = arith.constant 0 : i32
    %c0_i32_0 = arith.constant 0 : i32
    return %arg0, %c0_i32 : i32, i32
  }
  func.func @transform_4(%arg0: i32) -> (i32, i32) {
    %c0_i32 = arith.constant 0 : i32
    %c0_i32_0 = arith.constant 0 : i32
    return %arg0, %c0_i32 : i32, i32
  }
  func.func @transform_5(%arg0: i32) -> (i32, i32) {
    %c0_i32 = arith.constant 0 : i32
    %c0_i32_0 = arith.constant 0 : i32
    return %arg0, %c0_i32 : i32, i32
  }
  func.func @transform_6(%arg0: i32) -> (i32, i32) {
    %c0_i32 = arith.constant 0 : i32
    %c0_i32_0 = arith.constant 0 : i32
    return %arg0, %c0_i32 : i32, i32
  }
}

module attributes {stable_mosaic.version = 14 : i64} {
  func.func @_tmid_body(%arg0: i32, %arg1: memref<1x1000x128xf32, #tpu.memory_space<vmem>>, %arg2: memref<1x1000x128xf32, #tpu.memory_space<vmem>>, %arg3: memref<1000x128xf32, #tpu.memory_space<vmem>>, %arg4: memref<1000x1xf32, #tpu.memory_space<vmem>>, %arg5: memref<1x128xf32, #tpu.memory_space<vmem>>, %arg6: memref<1x128xf32, #tpu.memory_space<vmem>>, %arg7: memref<1x128xf32, #tpu.memory_space<vmem>>, %arg8: memref<128x128xf32, #tpu.memory_space<vmem>>, %arg9: memref<1000x128xf32, #tpu.memory_space<vmem>>, %arg10: memref<1000x128xf32, #tpu.memory_space<vmem>>) attributes {dimension_semantics = [#tpu.dimension_semantics<arbitrary>], iteration_bounds = array<i64: 10>, scalar_prefetch = 0 : i64, scratch_operands = 0 : i64, tpu.core_type = #tpu.core_type<tc>, window_params = [{transform_indices = @transform_0, window_bounds = array<i64: 1, 1000, 128>}, {transform_indices = @transform_1, window_bounds = array<i64: 1, 1000, 128>}, {transform_indices = @transform_2, window_bounds = array<i64: 1000, 128>}, {transform_indices = @transform_3, window_bounds = array<i64: 1000, 1>}, {pipeline_mode = #tpu.pipeline_mode<synchronous>, transform_indices = @transform_4, window_bounds = array<i64: 1, 128>}, {pipeline_mode = #tpu.pipeline_mode<synchronous>, transform_indices = @transform_5, window_bounds = array<i64: 1, 128>}, {pipeline_mode = #tpu.pipeline_mode<synchronous>, transform_indices = @transform_6, window_bounds = array<i64: 1, 128>}, {pipeline_mode = #tpu.pipeline_mode<synchronous>, transform_indices = @transform_7, window_bounds = array<i64: 128, 128>}, {transform_indices = @transform_8, window_bounds = array<i64: 1000, 128>}, {transform_indices = @transform_9, window_bounds = array<i64: 1000, 128>}]} {
    %get3A = arith.constant 0 : index
    %get3A_0 = arith.constant 0 : index
    %get3A_1 = vector.load %arg4[%get3A, %get3A_0] : memref<1000x1xf32, #tpu.memory_space<vmem>>, vector<1000x1xf32>
    %get3A_2 = arith.constant 0 : index
    %get3A_3 = arith.constant 0 : index
    %get3A_4 = arith.constant 0 : index
    %get3A_5 = vector.load %arg1[%get3A_2, %get3A_3, %get3A_4] : memref<1x1000x128xf32, #tpu.memory_space<vmem>>, vector<1x1000x128xf32>
    %get3A_6 = vector.shape_cast %get3A_5 : vector<1x1000x128xf32> to vector<1000x128xf32>
    %get3A_7 = arith.constant 0 : index
    %get3A_8 = arith.constant 0 : index
    %get3A_9 = arith.constant 0 : index
    %get3A_10 = vector.load %arg2[%get3A_7, %get3A_8, %get3A_9] : memref<1x1000x128xf32, #tpu.memory_space<vmem>>, vector<1x1000x128xf32>
    %get3A_11 = vector.shape_cast %get3A_10 : vector<1x1000x128xf32> to vector<1000x128xf32>
    %add3A = arith.addf %get3A_6, %get3A_11 : vector<1000x128xf32>
    %mul3A = vector.broadcast %get3A_1 : vector<1000x1xf32> to vector<1000x128xf32>
    %mul3A_12 = arith.mulf %mul3A, %add3A : vector<1000x128xf32>
    %mul3A_13 = arith.mulf %get3A_1, %get3A_1 : vector<1000x1xf32>
    %get3A_14 = arith.constant 0 : index
    %get3A_15 = arith.constant 0 : index
    %get3A_16 = vector.load %arg3[%get3A_14, %get3A_15] : memref<1000x128xf32, #tpu.memory_space<vmem>>, vector<1000x128xf32>
    %mul3A_17 = vector.broadcast %mul3A_13 : vector<1000x1xf32> to vector<1000x128xf32>
    %mul3A_18 = arith.mulf %mul3A_17, %get3A_16 : vector<1000x128xf32>
    %add3A_19 = arith.addf %mul3A_12, %mul3A_18 : vector<1000x128xf32>
    %get3A_20 = arith.constant 0 : index
    %get3A_21 = arith.constant 0 : index
    %get3A_22 = vector.load %arg5[%get3A_20, %get3A_21] : memref<1x128xf32, #tpu.memory_space<vmem>>, vector<1x128xf32>
    %add3A_23 = vector.broadcast %get3A_22 : vector<1x128xf32> to vector<1000x128xf32>
    %add3A_24 = arith.addf %add3A_19, %add3A_23 : vector<1000x128xf32>
    %get3A_25 = arith.constant 0 : index
    %get3A_26 = arith.constant 0 : index
    %get3A_27 = vector.load %arg6[%get3A_25, %get3A_26] : memref<1x128xf32, #tpu.memory_space<vmem>>, vector<1x128xf32>
    %mul3A_28 = vector.broadcast %get3A_27 : vector<1x128xf32> to vector<1000x128xf32>
    %mul3A_29 = arith.mulf %add3A_24, %mul3A_28 : vector<1000x128xf32>
    %get3A_30 = arith.constant 0 : index
    %get3A_31 = arith.constant 0 : index
    %get3A_32 = vector.load %arg7[%get3A_30, %get3A_31] : memref<1x128xf32, #tpu.memory_space<vmem>>, vector<1x128xf32>
    %add3A_33 = vector.broadcast %get3A_32 : vector<1x128xf32> to vector<1000x128xf32>
    %add3A_34 = arith.addf %mul3A_29, %add3A_33 : vector<1000x128xf32>
    %max3A = arith.constant 0.000000e+00 : f32
    %max3A_35 = vector.broadcast %max3A : f32 to vector<1000x128xf32>
    %max3A_36 = arith.maximumf %add3A_34, %max3A_35 : vector<1000x128xf32>
    %get3A_37 = arith.constant 0 : index
    %get3A_38 = arith.constant 0 : index
    %get3A_39 = vector.load %arg8[%get3A_37, %get3A_38] : memref<128x128xf32, #tpu.memory_space<vmem>>, vector<128x128xf32>
    %dot_general3A = arith.constant dense<0.000000e+00> : vector<1000x128xf32>
    %dot_general3A_40 = tpu.matmul %max3A_36, %get3A_39, %dot_general3A {dimension_numbers = #tpu.dot_dimension_numbers<[1], [0], [0], [1], [0, 0, 1, 1], [], []>, transpose_lhs_hint = false} : vector<1000x128xf32>, vector<128x128xf32>, vector<1000x128xf32> -> vector<1000x128xf32>
    %swap3A = arith.constant 0 : index
    %swap3A_41 = arith.constant 0 : index
    %swap3A_42 = vector.load %arg9[%swap3A, %swap3A_41] : memref<1000x128xf32, #tpu.memory_space<vmem>>, vector<1000x128xf32>
    tpu.vector_store %arg9[%swap3A, %swap3A_41], %dot_general3A_40 {strides = array<i32>} : memref<1000x128xf32, #tpu.memory_space<vmem>>, vector<1000x128xf32>,
    %mul3A_43 = vector.broadcast %get3A_1 : vector<1000x1xf32> to vector<1000x128xf32>
    %mul3A_44 = arith.mulf %dot_general3A_40, %mul3A_43 : vector<1000x128xf32>
    %swap3A_45 = arith.constant 0 : index
    %swap3A_46 = arith.constant 0 : index
    %swap3A_47 = vector.load %arg10[%swap3A_45, %swap3A_46] : memref<1000x128xf32, #tpu.memory_space<vmem>>, vector<1000x128xf32>
    tpu.vector_store %arg10[%swap3A_45, %swap3A_46], %mul3A_44 {strides = array<i32>} : memref<1000x128xf32, #tpu.memory_space<vmem>>, vector<1000x128xf32>,
    return
  }
  func.func @transform_0(%arg0: i32) -> (i32, i32, i32) {
    %c0_i32 = arith.constant 0 : i32
    %c0_i32_0 = arith.constant 0 : i32
    %c0_i32_1 = arith.constant 0 : i32
    return %c0_i32, %arg0, %c0_i32_0 : i32, i32, i32
  }
  func.func @transform_1(%arg0: i32) -> (i32, i32, i32) {
    %c1_i32 = arith.constant 1 : i32
    %c0_i32 = arith.constant 0 : i32
    %c0_i32_0 = arith.constant 0 : i32
    return %c1_i32, %arg0, %c0_i32 : i32, i32, i32
  }
  func.func @transform_2(%arg0: i32) -> (i32, i32) {
    %c0_i32 = arith.constant 0 : i32
    %c0_i32_0 = arith.constant 0 : i32
    return %arg0, %c0_i32 : i32, i32
  }
  func.func @transform_3(%arg0: i32) -> (i32, i32) {
    %c0_i32 = arith.constant 0 : i32
    %c0_i32_0 = arith.constant 0 : i32
    return %arg0, %c0_i32 : i32, i32
  }
  func.func @transform_4(%arg0: i32) -> (i32, i32) {
    %c0_i32 = arith.constant 0 : i32
    %c0_i32_0 = arith.constant 0 : i32
    %c0_i32_1 = arith.constant 0 : i32
    return %c0_i32, %c0_i32_0 : i32, i32
  }
  func.func @transform_5(%arg0: i32) -> (i32, i32) {
    %c0_i32 = arith.constant 0 : i32
    %c0_i32_0 = arith.constant 0 : i32
    %c0_i32_1 = arith.constant 0 : i32
    return %c0_i32, %c0_i32_0 : i32, i32
  }
  func.func @transform_6(%arg0: i32) -> (i32, i32) {
    %c0_i32 = arith.constant 0 : i32
    %c0_i32_0 = arith.constant 0 : i32
    %c0_i32_1 = arith.constant 0 : i32
    return %c0_i32, %c0_i32_0 : i32, i32
  }
  func.func @transform_7(%arg0: i32) -> (i32, i32) {
    %c0_i32 = arith.constant 0 : i32
    %c0_i32_0 = arith.constant 0 : i32
    %c0_i32_1 = arith.constant 0 : i32
    return %c0_i32, %c0_i32_0 : i32, i32
  }
  func.func @transform_8(%arg0: i32) -> (i32, i32) {
    %c0_i32 = arith.constant 0 : i32
    %c0_i32_0 = arith.constant 0 : i32
    return %arg0, %c0_i32 : i32, i32
  }
  func.func @transform_9(%arg0: i32) -> (i32, i32) {
    %c0_i32 = arith.constant 0 : i32
    %c0_i32_0 = arith.constant 0 : i32
    return %arg0, %c0_i32 : i32, i32
  }
}

module attributes {stable_mosaic.version = 14 : i64} {
  func.func @_tfin_body(%arg0: i32, %arg1: memref<1x1000x128xf32, #tpu.memory_space<vmem>>, %arg2: memref<1x1000x128xf32, #tpu.memory_space<vmem>>, %arg3: memref<1000x128xf32, #tpu.memory_space<vmem>>, %arg4: memref<1000x1xf32, #tpu.memory_space<vmem>>, %arg5: memref<1x128xf32, #tpu.memory_space<vmem>>, %arg6: memref<1x128xf32, #tpu.memory_space<vmem>>, %arg7: memref<1x128xf32, #tpu.memory_space<vmem>>, %arg8: memref<128x40xf32, #tpu.memory_space<vmem>>, %arg9: memref<1x40xf32, #tpu.memory_space<vmem>>, %arg10: memref<1000x40xf32, #tpu.memory_space<vmem>>) attributes {dimension_semantics = [#tpu.dimension_semantics<arbitrary>], iteration_bounds = array<i64: 10>, scalar_prefetch = 0 : i64, scratch_operands = 0 : i64, tpu.core_type = #tpu.core_type<tc>, window_params = [{transform_indices = @transform_0, window_bounds = array<i64: 1, 1000, 128>}, {transform_indices = @transform_1, window_bounds = array<i64: 1, 1000, 128>}, {transform_indices = @transform_2, window_bounds = array<i64: 1000, 128>}, {transform_indices = @transform_3, window_bounds = array<i64: 1000, 1>}, {pipeline_mode = #tpu.pipeline_mode<synchronous>, transform_indices = @transform_4, window_bounds = array<i64: 1, 128>}, {pipeline_mode = #tpu.pipeline_mode<synchronous>, transform_indices = @transform_5, window_bounds = array<i64: 1, 128>}, {pipeline_mode = #tpu.pipeline_mode<synchronous>, transform_indices = @transform_6, window_bounds = array<i64: 1, 128>}, {pipeline_mode = #tpu.pipeline_mode<synchronous>, transform_indices = @transform_7, window_bounds = array<i64: 128, 40>}, {pipeline_mode = #tpu.pipeline_mode<synchronous>, transform_indices = @transform_8, window_bounds = array<i64: 1, 40>}, {transform_indices = @transform_9, window_bounds = array<i64: 1000, 40>}]} {
    %get3A = arith.constant 0 : index
    %get3A_0 = arith.constant 0 : index
    %get3A_1 = vector.load %arg4[%get3A, %get3A_0] : memref<1000x1xf32, #tpu.memory_space<vmem>>, vector<1000x1xf32>
    %get3A_2 = arith.constant 0 : index
    %get3A_3 = arith.constant 0 : index
    %get3A_4 = arith.constant 0 : index
    %get3A_5 = vector.load %arg1[%get3A_2, %get3A_3, %get3A_4] : memref<1x1000x128xf32, #tpu.memory_space<vmem>>, vector<1x1000x128xf32>
    %get3A_6 = vector.shape_cast %get3A_5 : vector<1x1000x128xf32> to vector<1000x128xf32>
    %get3A_7 = arith.constant 0 : index
    %get3A_8 = arith.constant 0 : index
    %get3A_9 = arith.constant 0 : index
    %get3A_10 = vector.load %arg2[%get3A_7, %get3A_8, %get3A_9] : memref<1x1000x128xf32, #tpu.memory_space<vmem>>, vector<1x1000x128xf32>
    %get3A_11 = vector.shape_cast %get3A_10 : vector<1x1000x128xf32> to vector<1000x128xf32>
    %add3A = arith.addf %get3A_6, %get3A_11 : vector<1000x128xf32>
    %mul3A = vector.broadcast %get3A_1 : vector<1000x1xf32> to vector<1000x128xf32>
    %mul3A_12 = arith.mulf %mul3A, %add3A : vector<1000x128xf32>
    %mul3A_13 = arith.mulf %get3A_1, %get3A_1 : vector<1000x1xf32>
    %get3A_14 = arith.constant 0 : index
    %get3A_15 = arith.constant 0 : index
    %get3A_16 = vector.load %arg3[%get3A_14, %get3A_15] : memref<1000x128xf32, #tpu.memory_space<vmem>>, vector<1000x128xf32>
    %mul3A_17 = vector.broadcast %mul3A_13 : vector<1000x1xf32> to vector<1000x128xf32>
    %mul3A_18 = arith.mulf %mul3A_17, %get3A_16 : vector<1000x128xf32>
    %add3A_19 = arith.addf %mul3A_12, %mul3A_18 : vector<1000x128xf32>
    %get3A_20 = arith.constant 0 : index
    %get3A_21 = arith.constant 0 : index
    %get3A_22 = vector.load %arg5[%get3A_20, %get3A_21] : memref<1x128xf32, #tpu.memory_space<vmem>>, vector<1x128xf32>
    %add3A_23 = vector.broadcast %get3A_22 : vector<1x128xf32> to vector<1000x128xf32>
    %add3A_24 = arith.addf %add3A_19, %add3A_23 : vector<1000x128xf32>
    %get3A_25 = arith.constant 0 : index
    %get3A_26 = arith.constant 0 : index
    %get3A_27 = vector.load %arg6[%get3A_25, %get3A_26] : memref<1x128xf32, #tpu.memory_space<vmem>>, vector<1x128xf32>
    %mul3A_28 = vector.broadcast %get3A_27 : vector<1x128xf32> to vector<1000x128xf32>
    %mul3A_29 = arith.mulf %add3A_24, %mul3A_28 : vector<1000x128xf32>
    %get3A_30 = arith.constant 0 : index
    %get3A_31 = arith.constant 0 : index
    %get3A_32 = vector.load %arg7[%get3A_30, %get3A_31] : memref<1x128xf32, #tpu.memory_space<vmem>>, vector<1x128xf32>
    %add3A_33 = vector.broadcast %get3A_32 : vector<1x128xf32> to vector<1000x128xf32>
    %add3A_34 = arith.addf %mul3A_29, %add3A_33 : vector<1000x128xf32>
    %max3A = arith.constant 0.000000e+00 : f32
    %max3A_35 = vector.broadcast %max3A : f32 to vector<1000x128xf32>
    %max3A_36 = arith.maximumf %add3A_34, %max3A_35 : vector<1000x128xf32>
    %get3A_37 = arith.constant 0 : index
    %get3A_38 = arith.constant 0 : index
    %get3A_39 = vector.load %arg8[%get3A_37, %get3A_38] : memref<128x40xf32, #tpu.memory_space<vmem>>, vector<128x40xf32>
    %dot_general3A = arith.constant dense<0.000000e+00> : vector<1000x40xf32>
    %dot_general3A_40 = tpu.matmul %max3A_36, %get3A_39, %dot_general3A {dimension_numbers = #tpu.dot_dimension_numbers<[1], [0], [0], [1], [0, 0, 1, 1], [], []>, transpose_lhs_hint = false} : vector<1000x128xf32>, vector<128x40xf32>, vector<1000x40xf32> -> vector<1000x40xf32>
    %get3A_41 = arith.constant 0 : index
    %get3A_42 = arith.constant 0 : index
    %get3A_43 = vector.load %arg9[%get3A_41, %get3A_42] : memref<1x40xf32, #tpu.memory_space<vmem>>, vector<1x40xf32>
    %add3A_44 = vector.broadcast %get3A_43 : vector<1x40xf32> to vector<1000x40xf32>
    %add3A_45 = arith.addf %dot_general3A_40, %add3A_44 : vector<1000x40xf32>
    %swap3A = arith.constant 0 : index
    %swap3A_46 = arith.constant 0 : index
    %swap3A_47 = vector.load %arg10[%swap3A, %swap3A_46] : memref<1000x40xf32, #tpu.memory_space<vmem>>, vector<1000x40xf32>
    tpu.vector_store %arg10[%swap3A, %swap3A_46], %add3A_45 {strides = array<i32>} : memref<1000x40xf32, #tpu.memory_space<vmem>>, vector<1000x40xf32>,
    return
  }
  func.func @transform_0(%arg0: i32) -> (i32, i32, i32) {
    %c0_i32 = arith.constant 0 : i32
    %c0_i32_0 = arith.constant 0 : i32
    %c0_i32_1 = arith.constant 0 : i32
    return %c0_i32, %arg0, %c0_i32_0 : i32, i32, i32
  }
  func.func @transform_1(%arg0: i32) -> (i32, i32, i32) {
    %c1_i32 = arith.constant 1 : i32
    %c0_i32 = arith.constant 0 : i32
    %c0_i32_0 = arith.constant 0 : i32
    return %c1_i32, %arg0, %c0_i32 : i32, i32, i32
  }
  func.func @transform_2(%arg0: i32) -> (i32, i32) {
    %c0_i32 = arith.constant 0 : i32
    %c0_i32_0 = arith.constant 0 : i32
    return %arg0, %c0_i32 : i32, i32
  }
  func.func @transform_3(%arg0: i32) -> (i32, i32) {
    %c0_i32 = arith.constant 0 : i32
    %c0_i32_0 = arith.constant 0 : i32
    return %arg0, %c0_i32 : i32, i32
  }
  func.func @transform_4(%arg0: i32) -> (i32, i32) {
    %c0_i32 = arith.constant 0 : i32
    %c0_i32_0 = arith.constant 0 : i32
    %c0_i32_1 = arith.constant 0 : i32
    return %c0_i32, %c0_i32_0 : i32, i32
  }
  func.func @transform_5(%arg0: i32) -> (i32, i32) {
    %c0_i32 = arith.constant 0 : i32
    %c0_i32_0 = arith.constant 0 : i32
    %c0_i32_1 = arith.constant 0 : i32
    return %c0_i32, %c0_i32_0 : i32, i32
  }
  func.func @transform_6(%arg0: i32) -> (i32, i32) {
    %c0_i32 = arith.constant 0 : i32
    %c0_i32_0 = arith.constant 0 : i32
    %c0_i32_1 = arith.constant 0 : i32
    return %c0_i32, %c0_i32_0 : i32, i32
  }
  func.func @transform_7(%arg0: i32) -> (i32, i32) {
    %c0_i32 = arith.constant 0 : i32
    %c0_i32_0 = arith.constant 0 : i32
    %c0_i32_1 = arith.constant 0 : i32
    return %c0_i32, %c0_i32_0 : i32, i32
  }
  func.func @transform_8(%arg0: i32) -> (i32, i32) {
    %c0_i32 = arith.constant 0 : i32
    %c0_i32_0 = arith.constant 0 : i32
    %c0_i32_1 = arith.constant 0 : i32
    return %c0_i32, %c0_i32_0 : i32, i32
  }
  func.func @transform_9(%arg0: i32) -> (i32, i32) {
    %c0_i32 = arith.constant 0 : i32
    %c0_i32_0 = arith.constant 0 : i32
    return %arg0, %c0_i32 : i32, i32
  }
}

</mosaic_0001>

<sc_bundles>
// kernel: kernel.10.cloned.1.call-start
scs
__scs_entry_jumppad:
0x0: {  	(pc) =	sbr.rel $0x88, $3  }
0x1: {  	(tag) =	ssettag $0x0;
	lr =	simm.s32 $0x1  }
0x2: {  	[smem:$0x3F91] =	sst lr;
	_ =	strace $0xD0000000  }
0x3: {  	_ = 	snop  }
0x4: {  	_ = 	snop  }
0x5: {  	_ = 	snop  }
0x6: {  	_ = 	snop  }
0x7: {  	_ = 	snop  }
__scs_overlays_trampoline_lowered:
0x8: {  	[smem:$0x3FA0] =	sst s0  }
0x9: {  	[smem:$0x3FA1] =	sst s1  }
0xa: {  	[smem:$0x3FA2] =	sst s2  }
0xb: {  	[smem:$0x3FA3] =	sst s3  }
0xc: {  	[smem:$0x3FA4] =	sst s4  }
0xd: {  	[smem:$0x3FA5] =	sst s5  }
0xe: {  	[smem:$0x3FA6] =	sst s6  }
0xf: {  	[smem:$0x3FA7] =	sst s7  }
0x10: {  	[smem:$0x3FA8] =	sst s8  }
0x11: {  	[smem:$0x3FA9] =	sst s9;
	s0 =	simm.s32 @!p0 $0x0  }
0x12: {  	s1 =	sld [smem:$0x3F8F];
	s0 =	simm.s32 @p0 $0x1  }
0x13: {  	[smem:$0x3FAA] =	sst s0;
	s0 =	simm.s32 @!p1 $0x0  }
0x14: {  	s2 =	sld [smem:$0x3F8E];
	s0 =	simm.s32 @p1 $0x1  }
0x15: {  	[smem:$0x3FAB] =	sst s0;
	s0 =	simm.s32 @!p2 $0x0  }
0x16: {  	s3 =	sld [smem:$0x3FDB];
	s0 =	simm.s32 @p2 $0x1  }
0x17: {  	s4 =	simm.s32 $0x1BF5;
	[smem:$0x3FAD] =	sst s0  }
0x18: {  	s0 =	sld [smem:$0x3F90];
	_ =	swait.ge [sflag:s4], $0x0  }
0x19: {  	s7 =	sld [smem:$0x3F91]  }
0x1a: {  	s8 =	sadd.s32 $0xFFFFE003, lr  }
0x1b: {  	s9 =	sadd.s32 $0xFFFFFEF7, lr;
	s5 =	simm.s32 $0xFFFFFFFF;
	p2 =	slt.u32 s8, $0xFFFFF086  }
0x1c: {  	p1 =	slt.u32 s9, $0xF7A;
	s5 =	simm.s32 @!p2 $0x0  }
0x1d: {  	s5 =	simm.s32 @p1 $0x1;
	p0 =	seq.s32 s7, s2  }
0x1e: {  	s7 =	smul.u32 @!p0 $0xF7A, s2;
	p2 =	seq.s32 @!p0 s5, $0x0  }
0x1f: {  	s9 =	smul.u32 $0xF7A, s1;
	s8 =	simm.s32 @!p0 $0x1BF5;
	p2 =	por !p2, p0  }
0x20: {  	[sflag:s8] =	ssyncset.s32 @!p0 $0xFFFFF086;
	s6 =	sadd.s32 @!p0 s3, s7;
	s7 =	simm.s32 @!p0 $0x108  }
0x21: {  	s3 =	sadd.s32 s3, s9;
	s6 =	sadd.s32 @!p0 $0x88, s6;
	s7 =	simm.s32 @p2 $0x1082  }
0x22: {  	[simem:s7], [sflag:s8] =	dma.local @!p0 [hbm:s6], $0xF7A  }
0x23: {  	s9 =	sor.u32 $0xD0000000, s2;
	s6 =	simm.s32 $0x108;
	_ =	swait.ge @!p0 [sflag:s8], $0x0  }
0x24: {  	s3 =	sadd.s32 $0x88, s3;
	s6 =	simm.s32 @!p1 $0x1082;
	[sflag:s4] =	ssyncset.s32 $0xFFFFF086  }
0x25: {  	[simem:s6], [sflag:s4] =	dma.local [hbm:s3], $0xF7A  }
0x26: {  	[smem:$0x3F91] =	sst s1;
	(tag) =	ssettag s2;
	_ =	strace s9  }
0x27: {  	s1 =	sld [smem:$0x3FA1]  }
0x28: {  	s2 =	sld [smem:$0x3FA2]  }
0x29: {  	s4 =	sld [smem:$0x3FA4]  }
0x2a: {  	p0 =	seq.s32 s5, $0x0;
	s5 =	sld [smem:$0x3FA5]  }
0x2b: {  	s6 =	sld [smem:$0x3FA6]  }
0x2c: {  	s7 =	sld [smem:$0x3FA7]  }
0x2d: {  	s3 =	simm.s32 $0x108;
	s8 =	sld [smem:$0x3FA8]  }
0x2e: {  	s3 =	simm.s32 @!p0 $0x1082;
	s9 =	sld [smem:$0x3FA9]  }
0x2f: {  	lr =	sadd.s32 s0, s3;
	s0 =	sld [smem:$0x3FA0]  }
0x30: {  	s3 =	sld [smem:$0x3FA3]  }
0x31: {  	[smem:$0x3FAC] =	sst s10  }
0x32: {  	s10 =	sld [smem:$0x3FAA];
	_ =	sdelay $0x3  }
0x33: {  	p0 =	seq.s32 s10, $0x1;
	s10 =	sld [smem:$0x3FAC];
	_ =	sdelay $0x3  }
0x34: {  	[smem:$0x3FAC] =	sst s10  }
0x35: {  	s10 =	sld [smem:$0x3FAB];
	_ =	sdelay $0x3  }
0x36: {  	p1 =	seq.s32 s10, $0x1;
	s10 =	sld [smem:$0x3FAC];
	_ =	sdelay $0x3  }
0x37: {  	[smem:$0x3FAC] =	sst s10  }
0x38: {  	s10 =	sld [smem:$0x3FAD]  }
0x39: {  	_ = 	snop;
	(pc) =	sbr.ind lr, $3  }
0x3a: {  	_ = 	snop  }
0x3b: {  	_ = 	snop  }
0x3c: {  	p2 =	seq.s32 s10, $0x1;
	s10 =	sld [smem:$0x3FAC]  }
0x3d: {  	_ =	shalt  }
0x3e: {  	_ =	shalt  }
0x3f: {  	_ =	shalt  }
0x40: {  	_ =	shalt  }
0x41: {  	_ =	shalt  }
0x42: {  	_ =	shalt  }
0x43: {  	_ =	shalt  }
0x44: {  	_ =	shalt  }
0x45: {  	_ =	shalt  }
0x46: {  	_ =	shalt  }
0x47: {  	_ =	shalt  }
0x48: {  	_ =	shalt  }
0x49: {  	_ =	shalt  }
0x4a: {  	_ =	shalt  }
0x4b: {  	_ =	shalt  }
0x4c: {  	_ =	shalt  }
0x4d: {  	_ =	shalt  }
0x4e: {  	_ =	shalt  }
0x4f: {  	_ =	shalt  }
0x50: {  	_ =	shalt  }
0x51: {  	_ =	shalt  }
0x52: {  	_ =	shalt  }
0x53: {  	_ =	shalt  }
0x54: {  	_ =	shalt  }
0x55: {  	_ =	shalt  }
0x56: {  	_ =	shalt  }
0x57: {  	_ =	shalt  }
0x58: {  	_ =	shalt  }
0x59: {  	_ =	shalt  }
0x5a: {  	_ =	shalt  }
0x5b: {  	_ =	shalt  }
0x5c: {  	_ =	shalt  }
0x5d: {  	_ =	shalt  }
0x5e: {  	_ =	shalt  }
0x5f: {  	_ =	shalt  }
0x60: {  	_ =	shalt  }
0x61: {  	_ =	shalt  }
0x62: {  	_ =	shalt  }
0x63: {  	_ =	shalt  }
0x64: {  	_ =	shalt  }
0x65: {  	_ =	shalt  }
0x66: {  	_ =	shalt  }
0x67: {  	_ =	shalt  }
0x68: {  	_ =	shalt  }
0x69: {  	_ =	shalt  }
0x6a: {  	_ =	shalt  }
0x6b: {  	_ =	shalt  }
0x6c: {  	_ =	shalt  }
0x6d: {  	_ =	shalt  }
0x6e: {  	_ =	shalt  }
0x6f: {  	_ =	shalt  }
0x70: {  	_ =	shalt  }
0x71: {  	_ =	shalt  }
0x72: {  	_ =	shalt  }
0x73: {  	_ =	shalt  }
0x74: {  	_ =	shalt  }
0x75: {  	_ =	shalt  }
0x76: {  	_ =	shalt  }
0x77: {  	_ =	shalt  }
0x78: {  	_ =	shalt  }
0x79: {  	_ =	shalt  }
0x7a: {  	_ =	shalt  }
0x7b: {  	_ =	shalt  }
0x7c: {  	_ =	shalt  }
0x7d: {  	_ =	shalt  }
0x7e: {  	_ =	shalt  }
0x7f: {  	_ =	shalt  }
0x80: {  	_ =	shalt  }
0x81: {  	_ =	shalt  }
0x82: {  	_ =	shalt  }
0x83: {  	_ =	shalt  }
0x84: {  	_ =	shalt  }
0x85: {  	_ =	shalt  }
0x86: {  	_ =	shalt  }
0x87: {  	_ =	shalt  }
.Lfunc_end0:
.L_simem_size_0:
called_computation_lowered:
.L_overlay_start_0:
0x88: {  	s2 =	sld [smem:$0x3FD9]  }
0x89: {  	s3 =	sld [smem:$0x3FFE];
	_ =	sdelay $0x1  }
0x8a: {  	s1 =	srdreg.scid  }
0x8b: {  	s0 =	sand.u32 $0x1, s1  }
0x8c: {  	s16 =	sshll.u32 s0, $0xA;
	s2 =	sadd.s32 s3, s2  }
0x8d: {  	s2 =	sadd.s32 s2, s16  }
0x8e: {  	[smem:$0x3FB8] =	sst s2  }
0x8f: {  	_ = 	snop  }
0x90: {  	(tm) =	ssettm $0x1  }
0x91: {  	s17 =	sld [smem:$0x3FFB];
	_ =	sdelay $0x3  }
0x92: {  	_ =	strace s17  }
0x93: {  	s2 =	sld [smem:$0x3FFC];
	_ =	sdelay $0x3  }
0x94: {  	_ =	strace s2  }
0x95: {  	s2 =	sld [smem:$0x3FFD];
	_ =	sdelay $0x3  }
0x96: {  	_ =	strace s2  }
0x97: {  	_ =	strace $0x8FFFFFFF  }
0x98: {  	s18 =	sld [smem:$0x3FDB];
	_ =	sdelay $0x1  }
0x99: {  	s19 =	simm.s32 $_scs_section_size  }
0x9a: {  	s4 =	simm.s32 $_size__tile_overlayer_lowered;
	s5 =	simm.s32 $_tile_overlayer_lowered  }
0x9b: {  	s22 =	simm.s32 $0x1BFF;
	s21 =	sshll.u32 s5, $0x1;
	s2 =	sadd.s32 s19, s18  }
0x9c: {  	s6 =	simm.s32 $0x0;
	s20 =	sshll.u32 s4, $0x1;
	s4 =	sadd.s32 s21, s2  }
0x9d: {  	[timem:s6], [sflag:s22] =	dma.local [hbm:s4], s20  }
0x9e: {  	_ =	swait.ge [sflag:s22], s20  }
0x9f: {  	s3 =	ssub.s32 $0x0, s20;
	[sflag:s22] =	ssyncset.done $0x0  }
0xa0: {  	[sflag:s22] =	ssyncadd.s32 s3;
	_ =	sdelay $0x1  }
0xa1: {  	s23 =	simm.s32 $0x1B8B  }
0xa2: {  	_ =	swait.ge [sflag:s23], $0x1  }
0xa3: {  	[sflag:s23] =	ssyncset.done $0x0  }
0xa4: {  	s25 =	simm.s32 $0x1B8E;
	s24 =	sld [smem:$0x3FFE];
	[sflag:s23] =	ssyncadd.s32 $0xFFFFFFFF  }
0xa5: {  	s26 =	simm.s32 $execute0_lowered;
	[smem:$0x3FD2] =	sst s25  }
0xa6: {  	s4 =	sshll.u32 s26, $0x1;
	_ =	strace $0x80000046;
	[dreg:$0x1] =	wrdreg $0xFFFFFFFF  }
0xa7: {  	s28 =	simm.s32 $_size_execute0_lowered;
	s2 =	sadd.s32 s2, s4;
	[dreg:$0x0] =	wrdreg $0x0  }
0xa8: {  	s4 =	sshll.u32 s28, $0x1;
	[dreg:$0x2] =	wrdreg s2  }
0xa9: {  	[dreg:$0x3] =	wrdreg s4  }
0xaa: {  	[dreg:$0x4] =	wrdreg $0xC0  }
0xab: {  	_ =	task [dreg:s6], $0x5FFFF  }
0xac: {  	[dreg:$0x1] =	wrdreg $0xFFFFFFFF  }
0xad: {  	[dreg:$0x0] =	wrdreg $0x60  }
0xae: {  	[dreg:$0x2] =	wrdreg s24  }
0xaf: {  	[dreg:$0x3] =	wrdreg $0x68000  }
0xb0: {  	[dreg:$0x4] =	wrdreg $0x9  }
0xb1: {  	_ =	task.clear_ibuf [dreg:s6], $0x5FFFF;
	_ =	strace $0x90000046  }
0xb2: {  	s29 =	simm.s32 $0x9;
	_ =	strace $0x80000048  }
0xb3: {  	_ =	swait.ge [sflag:s29], $0x1  }
0xb4: {  	[sflag:s29] =	ssyncadd.s32 $0xFFFFFFFF  }
0xb5: {  	_ =	strace $0x90000048  }
0xb6: {  	_ =	sfence  }
0xb7: {  	s30 =	sld [smem:$0x0];
	_ =	sdelay $0x2  }
0xb8: {  	s31 =	sshll.u32 s1, $0xD;
	s1 =	sshrl.u32 s1, $0x2  }
0xb9: {  	s3 =	sand.u32 $0x4000, s31;
	s1 =	sadd.s32 s1, s30  }
0xba: {  	s0 =	sor.u32 s3, s0;
	s1 =	sshll.u32 s1, $0x11  }
0xbb: {  	s0 =	sor.u32 s1, s0  }
0xbc: {  	s0 =	sadd.s32 $0x8F2B, s0  }
0xbd: {  	[sflag:s0] =	ssyncadd.remote.s32 $0x1  }
0xbe: {  	_ =	sfence.sel $0xFFFF  }
0xbf: {  	[dreg:$0x0] =	wrdreg $0xFFFFFFFF;
	(pc) =	sbr.abs _section_cstart, $3  }
0xc0: {  	[dreg:$0x1] =	wrdreg $0xFFFFFFFF  }
0xc1: {  	_ =	task.clear_ibuf [dreg:s6], $0x2FFFF;
	_ =	strace $0x9FFFFFFF  }
0xc2: {  	(tm) =	ssettm $0x7FFFFFFF  }
0xc3: {  	_ =	shalt  }
tec
execute0_lowered:
.L_overlay_start_1:
0x0: {  	(tag) =	ssettag $0x1  }
0x1: {  	s5 =	rddreg [dreg:$0x0]  }
0x2: {  	s0 =	srdreg.scid;
	s2 =	rddreg [dreg:$0x1];
	s3 =	simm.s32 $0x0  }
0x3: {  	s12 =	simm.s32 $0x2800;
	s4 =	sand.u32 $0x1, s0;
	s0 =	stileid.u32  }
0x4: {  	s13 =	simm.s32 $0x0;
	[smem:$0x7FF] =	sst s3;
	s7 =	smul.u32 $0x13C00, s0  }
0x5: {  	s1 =	sshll.u32 s4, $0x4;
	s8 =	smul.u32 $0x13C000, s4;
	s4 =	ssub.s32 $0x2, s4  }
0x6: {  	s29 =	smul.u32 $0x4F000, s0;
	s31 =	sshll.u32 s0, $0x6;
	s1 =	sor.u32 s0, s1  }
0x7: {  	s10 =	sshrl.u32 s4, $0x1;
	s6 =	smul.u32 $0x500, s1;
	s1 =	rddreg [dreg:$0x2]  }
0x8: {  	_ =	strace $0x80000047;
	s9 =	sshrl.u32 s7, $0x3;
	s7 =	sadd.s32 s7, s8  }
0x9: {  	s10 =	ssub.s32 s4, s10;
	s30 =	sshrl.u32 s29, $0x2;
	s9 =	sadd.s32 s9, s5  }
0xa: {  	s7 =	sshrl.u32 s7, $0x3;
	s11 =	sadd.s32 s30, s2;
	s8 =	smax.u32 s10, $0x1  }
0xb: {  	s10 =	simm.s32 $0x1;
	s6 =	sadd.s32 s6, s5;
	s7 =	sadd.s32 s7, s5  }
0xc: {  	s4 =	sadd.s32 $0xDC00, s9;
	s5 =	sor.u32 $0x1C01, s31;
	s9 =	sshrl.u32 s11, $0x3  }
0xd: {  	v0 =	vimm.f32 $1.000000000e+00;
	s11 =	simm.s32 $0x80;
	s6 =	sadd.s32 $0x3C00, s6;
	s7 =	sadd.s32 $0x35400, s7  }
.LBB2_1:
0xe: {  	[spmem:s9], [sflag:s5] =	dma.local [hbm:s4], $0x2780  }
0xf: {  	_ =	swait.ge [sflag:s10], $0x2780  }
0x10: {  	[sflag:s10] =	ssyncset.done $0x0  }
0x11: {  	[sflag:s10] =	ssyncadd.s32 $0xFFFFD880  }
0x12: {  	[tilespmem:s3], [sflag:$0x1] =	stream.linear.gather [hbm4b:s6+s3], $0x2800, $0x38;
	[tilespmem:$0x1A400] =	vst v63  }
0x13: {  	_ =	swait.ge [sflag:s10], $0x2800  }
0x14: {  	[sflag:s10] =	ssyncset.done $0x0  }
0x15: {  	s14 =	simm.s32 $0x0;
	s15 =	simm.s32 $0x200;
	[sflag:s10] =	ssyncadd.s32 $0xFFFFD800  }
.LBB2_2:
0x16: {  	p0 =	sne.s32 s15, $0xFE00;
	[tilespmem:s14+$0x2870] =	vst v0  }
0x17: {  	[tilespmem:s14+$0x2800] =	vst v0  }
0x18: {  	[tilespmem:s14+$0x2810] =	vst v0  }
.Ltmp0:
0x19: {  	[tilespmem:s14+$0x2820] =	vst v0;
	(pc) =	sbr.rel @p0 .LBB2_2-.Ltmp0, $4  }
0x1a: {  	[tilespmem:s14+$0x2830] =	vst v0  }
0x1b: {  	[tilespmem:s14+$0x2840] =	vst v0  }
0x1c: {  	[tilespmem:s14+$0x2850] =	vst v0  }
0x1d: {  	[tilespmem:s14+$0x2860] =	vst v0;
	s14 =	sshra.s32 s15, $0x2;
	s15 =	sadd.s32 $0x200, s15  }
0x1e: {  	[tilespmem:s14+$0x2870] =	vst v0  }
0x1f: {  	[tilespmem:s14+$0x2800] =	vst v0  }
0x20: {  	[tilespmem:s14+$0x2810] =	vst v0  }
0x21: {  	[tilespmem:s14+$0x2820] =	vst v0  }
0x22: {  	[tilespmem:s14+$0x2830] =	vst v0  }
0x23: {  	[tilespmem:s14+$0x2840] =	vst v0  }
0x24: {  	[tilespmem:s14+$0x2850] =	vst v0  }
0x25: {  	[tilespmem:s14+$0x2860] =	vst v0  }
0x26: {  	s31 =	simm.s32 $0x0;
	[bflag:$0x0] =	sbarrier.arrive $0xFFFF  }
0x27: {  	[spmem:s2] =	stream.indirect.scatter.add.f32 [tilespmem:s12], [sflag:$0x1], $0x80, s31, s11, $0xb8;
	[tilespmem:$0x1A400] =	vst v63  }
0x28: {  	_ =	swait.ge [sflag:s10], $0x4000  }
0x29: {  	s14 =	simm.s32 $0x200;
	[sflag:s10] =	ssyncset.done $0x0  }
.LBB2_4:
0x2a: {  	s15 =	sshra.s32 s14, $0x2;
	[sflag:s10] =	ssyncadd.s32 $0xFFFFC000;
	p0 =	sne.s32 s14, $0x9E00  }
0x2b: {  	[spmem:s2] =	stream.indirect.scatter.add.f32 [tilespmem:s12], [sflag:$0x1], $0x80, s15, s11, $0xb8;
	[tilespmem:$0x1A400] =	vst v63  }
.Ltmp1:
0x2c: {  	_ = 	snop;
	(pc) =	sbr.rel @p0 .LBB2_4-.Ltmp1, $4  }
0x2d: {  	_ = 	snop  }
0x2e: {  	s14 =	sadd.s32 $0x200, s14  }
0x2f: {  	_ =	swait.ge [sflag:s10], $0x4000  }
0x30: {  	[sflag:s10] =	ssyncset.done $0x0  }
0x31: {  	s13 =	sadd.s32 $0x1, s13  }
0x32: {  	[sflag:s10] =	ssyncadd.s32 $0xFFFFC000;
	p0 =	sne.s32 s13, s8  }
.Ltmp2:
0x33: {  	[bflag:$0x0] =	sbarrier.arrive $0xFFFF;
	(pc) =	sbr.rel @p0 .LBB2_1-.Ltmp2, $4  }
0x34: {  	[hbm:s7], [sflag:s5] =	dma.local [spmem:s9], $0x2780  }
0x35: {  	_ =	swait.ge [sflag:s10], $0x2780  }
0x36: {  	[sflag:s10] =	ssyncset.done $0x0  }
0x37: {  	[sflag:s10] =	ssyncadd.s32 $0xFFFFD880  }
0x38: {  	_ =	sfence.sel $0x180000  }
0x39: {  	[bflag:$0x0] =	sbarrier.arrive $0xFFFF  }
0x3a: {  	p0 =	sne.s32 s0, $0x0;
	_ =	strace $0x90000047  }
0x3b: {  	s0 =	sadd.s32 @!p0 $0x100000, s1;
	[bflag:$0x2] =	sbarrier.arrive $0xFFFF  }
0x3c: {  	[sflag:s0] =	ssyncadd.tile.s32 @!p0 $0x1;
	_ =	shalt  }
.Lfunc_end2:
_tile_overlayer_lowered:
.L_overlay_start_2:
0x3d: {  	(tag) =	ssettag $0x2  }
0x3e: {  	s0 =	rddreg [dreg:$0x0];
	s2 =	stileid.u32  }
0x3f: {  	s1 =	rddreg [dreg:$0x1];
	p0 =	sne.s32 s2, $0x0  }
0x40: {  	s3 =	rddreg [dreg:$0x2];
	[bflag:$0x3] =	sbarrier.arrive $0xFFFF;
	s2 =	simm.s32 @!p0 $0x1C01  }
0x41: {  	[timem:s3], [sflag:s2] =	dma.local @!p0 [hbm:s0], s1  }
0x42: {  	s0 =	simm.s32 @!p0 $0x1  }
0x43: {  	_ =	swait.ge @!p0 [sflag:s0], s1  }
0x44: {  	s1 =	ssub.s32 @!p0 $0x0, s1;
	[sflag:s0] =	ssyncset.done @!p0 $0x0  }
0x45: {  	[sflag:s0] =	ssyncadd.s32 @!p0 s1  }
0x46: {  	[bflag:$0x3] =	sbarrier.arrive $0xFFFF  }
0x47: {  	_ =	shalt  }

// kernel: kernel.13.cloned.1.call-start
scs
__scs_entry_jumppad:
0x0: {  	(pc) =	sbr.rel $0x88, $3  }
0x1: {  	(tag) =	ssettag $0x0;
	lr =	simm.s32 $0x1  }
0x2: {  	[smem:$0x3F91] =	sst lr;
	_ =	strace $0xD0000000  }
0x3: {  	_ = 	snop  }
0x4: {  	_ = 	snop  }
0x5: {  	_ = 	snop  }
0x6: {  	_ = 	snop  }
0x7: {  	_ = 	snop  }
__scs_overlays_trampoline_lowered:
0x8: {  	[smem:$0x3FA0] =	sst s0  }
0x9: {  	[smem:$0x3FA1] =	sst s1  }
0xa: {  	[smem:$0x3FA2] =	sst s2  }
0xb: {  	[smem:$0x3FA3] =	sst s3  }
0xc: {  	[smem:$0x3FA4] =	sst s4  }
0xd: {  	[smem:$0x3FA5] =	sst s5  }
0xe: {  	[smem:$0x3FA6] =	sst s6  }
0xf: {  	[smem:$0x3FA7] =	sst s7  }
0x10: {  	[smem:$0x3FA8] =	sst s8  }
0x11: {  	[smem:$0x3FA9] =	sst s9;
	s0 =	simm.s32 @!p0 $0x0  }
0x12: {  	s1 =	sld [smem:$0x3F8F];
	s0 =	simm.s32 @p0 $0x1  }
0x13: {  	[smem:$0x3FAA] =	sst s0;
	s0 =	simm.s32 @!p1 $0x0  }
0x14: {  	s2 =	sld [smem:$0x3F8E];
	s0 =	simm.s32 @p1 $0x1  }
0x15: {  	[smem:$0x3FAB] =	sst s0;
	s0 =	simm.s32 @!p2 $0x0  }
0x16: {  	s3 =	sld [smem:$0x3FDB];
	s0 =	simm.s32 @p2 $0x1  }
0x17: {  	s4 =	simm.s32 $0x1BF5;
	[smem:$0x3FAD] =	sst s0  }
0x18: {  	s0 =	sld [smem:$0x3F90];
	_ =	swait.ge [sflag:s4], $0x0  }
0x19: {  	s7 =	sld [smem:$0x3F91]  }
0x1a: {  	s8 =	sadd.s32 $0xFFFFE003, lr  }
0x1b: {  	s9 =	sadd.s32 $0xFFFFFEF7, lr;
	s5 =	simm.s32 $0xFFFFFFFF;
	p2 =	slt.u32 s8, $0xFFFFF086  }
0x1c: {  	p1 =	slt.u32 s9, $0xF7A;
	s5 =	simm.s32 @!p2 $0x0  }
0x1d: {  	s5 =	simm.s32 @p1 $0x1;
	p0 =	seq.s32 s7, s2  }
0x1e: {  	s7 =	smul.u32 @!p0 $0xF7A, s2;
	p2 =	seq.s32 @!p0 s5, $0x0  }
0x1f: {  	s9 =	smul.u32 $0xF7A, s1;
	s8 =	simm.s32 @!p0 $0x1BF5;
	p2 =	por !p2, p0  }
0x20: {  	[sflag:s8] =	ssyncset.s32 @!p0 $0xFFFFF086;
	s6 =	sadd.s32 @!p0 s3, s7;
	s7 =	simm.s32 @!p0 $0x108  }
0x21: {  	s3 =	sadd.s32 s3, s9;
	s6 =	sadd.s32 @!p0 $0x88, s6;
	s7 =	simm.s32 @p2 $0x1082  }
0x22: {  	[simem:s7], [sflag:s8] =	dma.local @!p0 [hbm:s6], $0xF7A  }
0x23: {  	s9 =	sor.u32 $0xD0000000, s2;
	s6 =	simm.s32 $0x108;
	_ =	swait.ge @!p0 [sflag:s8], $0x0  }
0x24: {  	s3 =	sadd.s32 $0x88, s3;
	s6 =	simm.s32 @!p1 $0x1082;
	[sflag:s4] =	ssyncset.s32 $0xFFFFF086  }
0x25: {  	[simem:s6], [sflag:s4] =	dma.local [hbm:s3], $0xF7A  }
0x26: {  	[smem:$0x3F91] =	sst s1;
	(tag) =	ssettag s2;
	_ =	strace s9  }
0x27: {  	s1 =	sld [smem:$0x3FA1]  }
0x28: {  	s2 =	sld [smem:$0x3FA2]  }
0x29: {  	s4 =	sld [smem:$0x3FA4]  }
0x2a: {  	p0 =	seq.s32 s5, $0x0;
	s5 =	sld [smem:$0x3FA5]  }
0x2b: {  	s6 =	sld [smem:$0x3FA6]  }
0x2c: {  	s7 =	sld [smem:$0x3FA7]  }
0x2d: {  	s3 =	simm.s32 $0x108;
	s8 =	sld [smem:$0x3FA8]  }
0x2e: {  	s3 =	simm.s32 @!p0 $0x1082;
	s9 =	sld [smem:$0x3FA9]  }
0x2f: {  	lr =	sadd.s32 s0, s3;
	s0 =	sld [smem:$0x3FA0]  }
0x30: {  	s3 =	sld [smem:$0x3FA3]  }
0x31: {  	[smem:$0x3FAC] =	sst s10  }
0x32: {  	s10 =	sld [smem:$0x3FAA];
	_ =	sdelay $0x3  }
0x33: {  	p0 =	seq.s32 s10, $0x1;
	s10 =	sld [smem:$0x3FAC];
	_ =	sdelay $0x3  }
0x34: {  	[smem:$0x3FAC] =	sst s10  }
0x35: {  	s10 =	sld [smem:$0x3FAB];
	_ =	sdelay $0x3  }
0x36: {  	p1 =	seq.s32 s10, $0x1;
	s10 =	sld [smem:$0x3FAC];
	_ =	sdelay $0x3  }
0x37: {  	[smem:$0x3FAC] =	sst s10  }
0x38: {  	s10 =	sld [smem:$0x3FAD]  }
0x39: {  	_ = 	snop;
	(pc) =	sbr.ind lr, $3  }
0x3a: {  	_ = 	snop  }
0x3b: {  	_ = 	snop  }
0x3c: {  	p2 =	seq.s32 s10, $0x1;
	s10 =	sld [smem:$0x3FAC]  }
0x3d: {  	_ =	shalt  }
0x3e: {  	_ =	shalt  }
0x3f: {  	_ =	shalt  }
0x40: {  	_ =	shalt  }
0x41: {  	_ =	shalt  }
0x42: {  	_ =	shalt  }
0x43: {  	_ =	shalt  }
0x44: {  	_ =	shalt  }
0x45: {  	_ =	shalt  }
0x46: {  	_ =	shalt  }
0x47: {  	_ =	shalt  }
0x48: {  	_ =	shalt  }
0x49: {  	_ =	shalt  }
0x4a: {  	_ =	shalt  }
0x4b: {  	_ =	shalt  }
0x4c: {  	_ =	shalt  }
0x4d: {  	_ =	shalt  }
0x4e: {  	_ =	shalt  }
0x4f: {  	_ =	shalt  }
0x50: {  	_ =	shalt  }
0x51: {  	_ =	shalt  }
0x52: {  	_ =	shalt  }
0x53: {  	_ =	shalt  }
0x54: {  	_ =	shalt  }
0x55: {  	_ =	shalt  }
0x56: {  	_ =	shalt  }
0x57: {  	_ =	shalt  }
0x58: {  	_ =	shalt  }
0x59: {  	_ =	shalt  }
0x5a: {  	_ =	shalt  }
0x5b: {  	_ =	shalt  }
0x5c: {  	_ =	shalt  }
0x5d: {  	_ =	shalt  }
0x5e: {  	_ =	shalt  }
0x5f: {  	_ =	shalt  }
0x60: {  	_ =	shalt  }
0x61: {  	_ =	shalt  }
0x62: {  	_ =	shalt  }
0x63: {  	_ =	shalt  }
0x64: {  	_ =	shalt  }
0x65: {  	_ =	shalt  }
0x66: {  	_ =	shalt  }
0x67: {  	_ =	shalt  }
0x68: {  	_ =	shalt  }
0x69: {  	_ =	shalt  }
0x6a: {  	_ =	shalt  }
0x6b: {  	_ =	shalt  }
0x6c: {  	_ =	shalt  }
0x6d: {  	_ =	shalt  }
0x6e: {  	_ =	shalt  }
0x6f: {  	_ =	shalt  }
0x70: {  	_ =	shalt  }
0x71: {  	_ =	shalt  }
0x72: {  	_ =	shalt  }
0x73: {  	_ =	shalt  }
0x74: {  	_ =	shalt  }
0x75: {  	_ =	shalt  }
0x76: {  	_ =	shalt  }
0x77: {  	_ =	shalt  }
0x78: {  	_ =	shalt  }
0x79: {  	_ =	shalt  }
0x7a: {  	_ =	shalt  }
0x7b: {  	_ =	shalt  }
0x7c: {  	_ =	shalt  }
0x7d: {  	_ =	shalt  }
0x7e: {  	_ =	shalt  }
0x7f: {  	_ =	shalt  }
0x80: {  	_ =	shalt  }
0x81: {  	_ =	shalt  }
0x82: {  	_ =	shalt  }
0x83: {  	_ =	shalt  }
0x84: {  	_ =	shalt  }
0x85: {  	_ =	shalt  }
0x86: {  	_ =	shalt  }
0x87: {  	_ =	shalt  }
.Lfunc_end0:
.L_simem_size_0:
called_computation.1_lowered:
.L_overlay_start_0:
0x88: {  	s2 =	sld [smem:$0x3FD9]  }
0x89: {  	s3 =	sld [smem:$0x3FFE];
	_ =	sdelay $0x1  }
0x8a: {  	s1 =	srdreg.scid  }
0x8b: {  	s0 =	sand.u32 $0x1, s1  }
0x8c: {  	s17 =	sshll.u32 s0, $0xA;
	s2 =	sadd.s32 s3, s2  }
0x8d: {  	s2 =	sadd.s32 s2, s17  }
0x8e: {  	[smem:$0x3FB8] =	sst s2  }
0x8f: {  	_ = 	snop  }
0x90: {  	s2 =	sld [smem:$0x3FD0];
	(tm) =	ssettm $0x1  }
0x91: {  	s18 =	sld [smem:$0x3FFB];
	_ =	sdelay $0x3  }
0x92: {  	_ =	strace s18  }
0x93: {  	s3 =	sld [smem:$0x3FFC];
	_ =	sdelay $0x3  }
0x94: {  	_ =	strace s3  }
0x95: {  	s3 =	sld [smem:$0x3FFD];
	_ =	sdelay $0x3  }
0x96: {  	_ =	strace s3  }
0x97: {  	_ =	strace $0x8FFFFFFF  }
0x98: {  	s19 =	sld [smem:$0x3FDB];
	_ =	sdelay $0x1  }
0x99: {  	s4 =	simm.s32 $_scs_section_size  }
0x9a: {  	s5 =	simm.s32 $_size__tile_overlayer_lowered;
	s6 =	simm.s32 $_tile_overlayer_lowered  }
0x9b: {  	s22 =	simm.s32 $0x1BFF;
	s21 =	sshll.u32 s6, $0x1;
	s3 =	sadd.s32 s4, s19  }
0x9c: {  	s7 =	simm.s32 $0x0;
	s20 =	sshll.u32 s5, $0x1;
	s5 =	sadd.s32 s21, s3  }
0x9d: {  	[timem:s7], [sflag:s22] =	dma.local [hbm:s5], s20  }
0x9e: {  	_ =	swait.ge [sflag:s22], s20  }
0x9f: {  	s4 =	ssub.s32 $0x0, s20;
	[sflag:s22] =	ssyncset.done $0x0  }
0xa0: {  	[sflag:s22] =	ssyncadd.s32 s4;
	_ =	sdelay $0x1  }
0xa1: {  	s23 =	simm.s32 $0x1B8B  }
0xa2: {  	_ =	swait.ge [sflag:s23], $0x1  }
0xa3: {  	[sflag:s23] =	ssyncset.done $0x0  }
0xa4: {  	s25 =	simm.s32 $0x1B8E;
	s24 =	sld [smem:$0x3FFE];
	[sflag:s23] =	ssyncadd.s32 $0xFFFFFFFF  }
0xa5: {  	s26 =	simm.s32 $execute0_lowered;
	[smem:$0x3FD2] =	sst s25  }
0xa6: {  	s5 =	sshll.u32 s26, $0x1;
	_ =	strace $0x80000049;
	[dreg:$0x1] =	wrdreg $0xFFFFFFFF  }
0xa7: {  	s28 =	simm.s32 $_size_execute0_lowered;
	s3 =	sadd.s32 s3, s5;
	[dreg:$0x0] =	wrdreg $0x0  }
0xa8: {  	s5 =	sshll.u32 s28, $0x1;
	[dreg:$0x2] =	wrdreg s3  }
0xa9: {  	[dreg:$0x3] =	wrdreg s5  }
0xaa: {  	[dreg:$0x4] =	wrdreg $0xC0  }
0xab: {  	_ =	task [dreg:s7], $0x5FFFF  }
0xac: {  	[dreg:$0x1] =	wrdreg $0xFFFFFFFF  }
0xad: {  	[dreg:$0x0] =	wrdreg $0x60  }
0xae: {  	[dreg:$0x2] =	wrdreg s24  }
0xaf: {  	[dreg:$0x3] =	wrdreg s2  }
0xb0: {  	[dreg:$0x4] =	wrdreg $0xA0000  }
0xb1: {  	[dreg:$0x5] =	wrdreg $0x9  }
0xb2: {  	_ =	task.clear_ibuf [dreg:s7], $0x6FFFF;
	_ =	strace $0x90000049  }
0xb3: {  	s29 =	simm.s32 $0x9;
	_ =	strace $0x8000004B  }
0xb4: {  	_ =	swait.ge [sflag:s29], $0x1  }
0xb5: {  	[sflag:s29] =	ssyncadd.s32 $0xFFFFFFFF  }
0xb6: {  	_ =	strace $0x9000004B  }
0xb7: {  	_ =	sfence  }
0xb8: {  	s30 =	sld [smem:$0x0];
	_ =	sdelay $0x2  }
0xb9: {  	s31 =	sshll.u32 s1, $0xD;
	s1 =	sshrl.u32 s1, $0x2  }
0xba: {  	s3 =	sand.u32 $0x4000, s31;
	s1 =	sadd.s32 s1, s30  }
0xbb: {  	s0 =	sor.u32 s3, s0;
	s1 =	sshll.u32 s1, $0x11  }
0xbc: {  	s0 =	sor.u32 s1, s0  }
0xbd: {  	s0 =	sadd.s32 $0x8F2B, s0  }
0xbe: {  	[sflag:s0] =	ssyncadd.remote.s32 $0x1  }
0xbf: {  	_ =	sfence.sel $0xFFFF  }
0xc0: {  	[dreg:$0x0] =	wrdreg $0xFFFFFFFF;
	(pc) =	sbr.abs _section_cstart, $3  }
0xc1: {  	[dreg:$0x1] =	wrdreg $0xFFFFFFFF  }
0xc2: {  	_ =	task.clear_ibuf [dreg:s7], $0x2FFFF;
	_ =	strace $0x9FFFFFFF  }
0xc3: {  	(tm) =	ssettm $0x7FFFFFFF  }
tec
execute0_lowered:
.L_overlay_start_1:
0x0: {  	(tag) =	ssettag $0x1  }
0x1: {  	s5 =	rddreg [dreg:$0x0]  }
0x2: {  	s9 =	rddreg [dreg:$0x1]  }
0x3: {  	s1 =	rddreg [dreg:$0x2]  }
0x4: {  	s0 =	rddreg [dreg:$0x3];
	s3 =	simm.s32 $0x0;
	s4 =	srdreg.scid  }
0x5: {  	s2 =	stileid.u32;
	s15 =	simm.s32 $0x6000;
	s16 =	simm.s32 $0x1  }
0x6: {  	s17 =	simm.s32 $0x0;
	s6 =	sand.u32 $0x1, s4;
	s4 =	smul.u32 $0x60, s2  }
0x7: {  	[smem:$0x7FF] =	sst s3;
	s7 =	sshll.u32 s2, $0x6;
	s10 =	smul.u32 $0x13C00, s2  }
0x8: {  	s13 =	smul.u32 $0x4F000, s2;
	p0 =	seq.s32 s6, $0x0;
	s8 =	sadd.s32 $0x600, s7  }
0x9: {  	s11 =	smul.u32 $0x13C000, s6;
	_ =	strace $0x8000004A;
	s6 =	ssub.s32 $0x2, s6  }
0xa: {  	s7 =	sor.u32 $0x1C02, s7;
	s8 =	smov.u32 @p0 s4;
	s4 =	sadd.s32 $0x35400, s5  }
0xb: {  	s14 =	sshrl.u32 s6, $0x1;
	s13 =	sshrl.u32 s13, $0x2;
	s12 =	sshll.u32 s8, $0x4  }
0xc: {  	s11 =	sadd.s32 s10, s11;
	s10 =	sshrl.u32 s10, $0x3;
	s14 =	ssub.s32 s6, s14  }
0xd: {  	s13 =	sadd.s32 s13, s1;
	s8 =	sadd.s32 s12, s5;
	s11 =	sshrl.u32 s11, $0x3  }
0xe: {  	s10 =	sadd.s32 s10, s5;
	s9 =	sadd.s32 s9, s12;
	s12 =	sshrl.u32 s13, $0x3  }
0xf: {  	s13 =	simm.s32 $0x2;
	s11 =	sadd.s32 s11, s5;
	s5 =	simm.s32 $0x60  }
0x10: {  	s6 =	sadd.s32 $0xDC00, s10;
	s8 =	sadd.s32 $0x84400, s8;
	s5 =	simm.s32 @!p0 $0x40  }
0x11: {  	s10 =	sadd.s32 $0x8EA00, s11;
	s11 =	smax.u32 s14, $0x1;
	s14 =	simm.s32 $0x80  }
.LBB2_1:
0x12: {  	[spmem:s12], [sflag:s7] =	dma.local [hbm:s6], $0x2780  }
0x13: {  	_ =	swait.ge [sflag:s13], $0x2780  }
0x14: {  	[sflag:s13] =	ssyncset.done $0x0  }
0x15: {  	[sflag:s13] =	ssyncadd.s32 $0xFFFFD880  }
0x16: {  	[tilespmem:s3], [sflag:$0x2] =	stream.linear.gather [hbm4b:s8+s3], $0x3000, $0x38;
	[tilespmem:$0x1DC00] =	vst v63  }
0x17: {  	_ =	swait.ge [sflag:s13], $0x3000  }
0x18: {  	[sflag:s13] =	ssyncset.done $0x0  }
0x19: {  	s18 =	simm.s32 $0x3000;
	[sflag:s13] =	ssyncadd.s32 $0xFFFFD000  }
0x1a: {  	[tilespmem:s18], [sflag:$0x2] =	stream.linear.gather [hbm4b:s9+s3], $0x3000, $0x38;
	[tilespmem:$0x1DC00] =	vst v63  }
0x1b: {  	_ =	swait.ge [sflag:s13], $0x3000  }
0x1c: {  	[sflag:s13] =	ssyncset.done $0x0  }
0x1d: {  	[sflag:s13] =	ssyncadd.s32 $0xFFFFD000  }
0x1e: {  	[bflag:$0x0] =	sbarrier.arrive $0xFFFF  }
0x1f: {  	[tilespmem:s15], [sflag:$0x1] =	stream.indirect.gather [hbm4b:s4+s14], $0x80, s3, s14, $0xb8;
	[tilespmem:$0x1DC00] =	vst v63  }
0x20: {  	p0 =	sne.s32 s5, $0x1;
	_ =	swait.ge [sflag:s16], $0x4000  }
.Ltmp0:
0x21: {  	[sflag:s16] =	ssyncset.done $0x0;
	(pc) =	sbr.rel @!p0 .LBB2_3-.Ltmp0, $4  }
0x22: {  	[sflag:s16] =	ssyncadd.s32 $0xFFFFC000  }
0x23: {  	[spmem:s1] =	stream.indirect.scatter.add.f32 [tilespmem:s15], [sflag:$0x2], $0x80, s18, s14, $0xb8;
	[tilespmem:$0x1DC00] =	vst v63  }
0x24: {  	_ =	swait.ge [sflag:s13], $0x4000  }
0x25: {  	s19 =	sadd.s32 $0xFFFFFFFF, s5;
	s20 =	simm.s32 $0x0;
	[sflag:s13] =	ssyncset.done $0x0  }
.LBB2_2:
0x26: {  	[sflag:s13] =	ssyncadd.s32 $0xFFFFC000;
	s20 =	sadd.s32 $0x80, s20;
	s18 =	sadd.s32 $0x80, s18  }
0x27: {  	[tilespmem:s15], [sflag:$0x1] =	stream.indirect.gather [hbm4b:s4+s14], $0x80, s20, s14, $0xb8;
	[tilespmem:$0x1DC00] =	vst v63  }
0x28: {  	p0 =	sne.s32 s19, $0x1;
	s19 =	sadd.s32 $0xFFFFFFFF, s19;
	_ =	swait.ge [sflag:s16], $0x4000  }
.Ltmp1:
0x29: {  	[sflag:s16] =	ssyncset.done $0x0;
	(pc) =	sbr.rel @p0 .LBB2_2-.Ltmp1, $4  }
0x2a: {  	[sflag:s16] =	ssyncadd.s32 $0xFFFFC000  }
0x2b: {  	[spmem:s1] =	stream.indirect.scatter.add.f32 [tilespmem:s15], [sflag:$0x2], $0x80, s18, s14, $0xb8;
	[tilespmem:$0x1DC00] =	vst v63  }
0x2c: {  	_ =	swait.ge [sflag:s13], $0x4000  }
0x2d: {  	[sflag:s13] =	ssyncset.done $0x0  }
.LBB2_3:
0x2e: {  	s17 =	sadd.s32 $0x1, s17  }
0x2f: {  	[sflag:s13] =	ssyncadd.s32 $0xFFFFC000;
	p0 =	sne.s32 s17, s11  }
.Ltmp2:
0x30: {  	[bflag:$0x0] =	sbarrier.arrive $0xFFFF;
	(pc) =	sbr.rel @p0 .LBB2_1-.Ltmp2, $4  }
0x31: {  	[hbm:s10], [sflag:s7] =	dma.local [spmem:s12], $0x2780  }
0x32: {  	_ =	swait.ge [sflag:s13], $0x2780  }
0x33: {  	[sflag:s13] =	ssyncset.done $0x0  }
0x34: {  	[sflag:s13] =	ssyncadd.s32 $0xFFFFD880  }
0x35: {  	_ =	sfence.sel $0x180000  }
0x36: {  	[bflag:$0x0] =	sbarrier.arrive $0xFFFF  }
0x37: {  	p0 =	sne.s32 s2, $0x0;
	_ =	strace $0x9000004A  }
0x38: {  	s0 =	sadd.s32 @!p0 $0x100000, s0;
	[bflag:$0x2] =	sbarrier.arrive $0xFFFF  }
0x39: {  	[sflag:s0] =	ssyncadd.tile.s32 @!p0 $0x1;
	_ =	shalt  }
.Lfunc_end2:
_tile_overlayer_lowered:
.L_overlay_start_2:
0x3a: {  	(tag) =	ssettag $0x2  }
0x3b: {  	s0 =	rddreg [dreg:$0x0];
	s2 =	stileid.u32  }
0x3c: {  	s1 =	rddreg [dreg:$0x1];
	p0 =	sne.s32 s2, $0x0  }
0x3d: {  	s3 =	rddreg [dreg:$0x2];
	[bflag:$0x3] =	sbarrier.arrive $0xFFFF;
	s2 =	simm.s32 @!p0 $0x1C02  }
0x3e: {  	[timem:s3], [sflag:s2] =	dma.local @!p0 [hbm:s0], s1  }
0x3f: {  	s0 =	simm.s32 @!p0 $0x2  }
0x40: {  	_ =	swait.ge @!p0 [sflag:s0], s1  }
0x41: {  	s1 =	ssub.s32 @!p0 $0x0, s1;
	[sflag:s0] =	ssyncset.done @!p0 $0x0  }
0x42: {  	[sflag:s0] =	ssyncadd.s32 @!p0 s1  }
0x43: {  	[bflag:$0x3] =	sbarrier.arrive $0xFFFF  }
0x44: {  	_ =	shalt  }

// kernel: kernel.16.cloned.1.call-start
scs
__scs_entry_jumppad:
0x0: {  	(pc) =	sbr.rel $0x88, $3  }
0x1: {  	(tag) =	ssettag $0x0;
	lr =	simm.s32 $0x1  }
0x2: {  	[smem:$0x3F91] =	sst lr;
	_ =	strace $0xD0000000  }
0x3: {  	_ = 	snop  }
0x4: {  	_ = 	snop  }
0x5: {  	_ = 	snop  }
0x6: {  	_ = 	snop  }
0x7: {  	_ = 	snop  }
__scs_overlays_trampoline_lowered:
0x8: {  	[smem:$0x3FA0] =	sst s0  }
0x9: {  	[smem:$0x3FA1] =	sst s1  }
0xa: {  	[smem:$0x3FA2] =	sst s2  }
0xb: {  	[smem:$0x3FA3] =	sst s3  }
0xc: {  	[smem:$0x3FA4] =	sst s4  }
0xd: {  	[smem:$0x3FA5] =	sst s5  }
0xe: {  	[smem:$0x3FA6] =	sst s6  }
0xf: {  	[smem:$0x3FA7] =	sst s7  }
0x10: {  	[smem:$0x3FA8] =	sst s8  }
0x11: {  	[smem:$0x3FA9] =	sst s9;
	s0 =	simm.s32 @!p0 $0x0  }
0x12: {  	s1 =	sld [smem:$0x3F8F];
	s0 =	simm.s32 @p0 $0x1  }
0x13: {  	[smem:$0x3FAA] =	sst s0;
	s0 =	simm.s32 @!p1 $0x0  }
0x14: {  	s2 =	sld [smem:$0x3F8E];
	s0 =	simm.s32 @p1 $0x1  }
0x15: {  	[smem:$0x3FAB] =	sst s0;
	s0 =	simm.s32 @!p2 $0x0  }
0x16: {  	s3 =	sld [smem:$0x3FDB];
	s0 =	simm.s32 @p2 $0x1  }
0x17: {  	s4 =	simm.s32 $0x1BF5;
	[smem:$0x3FAD] =	sst s0  }
0x18: {  	s0 =	sld [smem:$0x3F90];
	_ =	swait.ge [sflag:s4], $0x0  }
0x19: {  	s7 =	sld [smem:$0x3F91]  }
0x1a: {  	s8 =	sadd.s32 $0xFFFFE003, lr  }
0x1b: {  	s9 =	sadd.s32 $0xFFFFFEF7, lr;
	s5 =	simm.s32 $0xFFFFFFFF;
	p2 =	slt.u32 s8, $0xFFFFF086  }
0x1c: {  	p1 =	slt.u32 s9, $0xF7A;
	s5 =	simm.s32 @!p2 $0x0  }
0x1d: {  	s5 =	simm.s32 @p1 $0x1;
	p0 =	seq.s32 s7, s2  }
0x1e: {  	s7 =	smul.u32 @!p0 $0xF7A, s2;
	p2 =	seq.s32 @!p0 s5, $0x0  }
0x1f: {  	s9 =	smul.u32 $0xF7A, s1;
	s8 =	simm.s32 @!p0 $0x1BF5;
	p2 =	por !p2, p0  }
0x20: {  	[sflag:s8] =	ssyncset.s32 @!p0 $0xFFFFF086;
	s6 =	sadd.s32 @!p0 s3, s7;
	s7 =	simm.s32 @!p0 $0x108  }
0x21: {  	s3 =	sadd.s32 s3, s9;
	s6 =	sadd.s32 @!p0 $0x88, s6;
	s7 =	simm.s32 @p2 $0x1082  }
0x22: {  	[simem:s7], [sflag:s8] =	dma.local @!p0 [hbm:s6], $0xF7A  }
0x23: {  	s9 =	sor.u32 $0xD0000000, s2;
	s6 =	simm.s32 $0x108;
	_ =	swait.ge @!p0 [sflag:s8], $0x0  }
0x24: {  	s3 =	sadd.s32 $0x88, s3;
	s6 =	simm.s32 @!p1 $0x1082;
	[sflag:s4] =	ssyncset.s32 $0xFFFFF086  }
0x25: {  	[simem:s6], [sflag:s4] =	dma.local [hbm:s3], $0xF7A  }
0x26: {  	[smem:$0x3F91] =	sst s1;
	(tag) =	ssettag s2;
	_ =	strace s9  }
0x27: {  	s1 =	sld [smem:$0x3FA1]  }
0x28: {  	s2 =	sld [smem:$0x3FA2]  }
0x29: {  	s4 =	sld [smem:$0x3FA4]  }
0x2a: {  	p0 =	seq.s32 s5, $0x0;
	s5 =	sld [smem:$0x3FA5]  }
0x2b: {  	s6 =	sld [smem:$0x3FA6]  }
0x2c: {  	s7 =	sld [smem:$0x3FA7]  }
0x2d: {  	s3 =	simm.s32 $0x108;
	s8 =	sld [smem:$0x3FA8]  }
0x2e: {  	s3 =	simm.s32 @!p0 $0x1082;
	s9 =	sld [smem:$0x3FA9]  }
0x2f: {  	lr =	sadd.s32 s0, s3;
	s0 =	sld [smem:$0x3FA0]  }
0x30: {  	s3 =	sld [smem:$0x3FA3]  }
0x31: {  	[smem:$0x3FAC] =	sst s10  }
0x32: {  	s10 =	sld [smem:$0x3FAA];
	_ =	sdelay $0x3  }
0x33: {  	p0 =	seq.s32 s10, $0x1;
	s10 =	sld [smem:$0x3FAC];
	_ =	sdelay $0x3  }
0x34: {  	[smem:$0x3FAC] =	sst s10  }
0x35: {  	s10 =	sld [smem:$0x3FAB];
	_ =	sdelay $0x3  }
0x36: {  	p1 =	seq.s32 s10, $0x1;
	s10 =	sld [smem:$0x3FAC];
	_ =	sdelay $0x3  }
0x37: {  	[smem:$0x3FAC] =	sst s10  }
0x38: {  	s10 =	sld [smem:$0x3FAD]  }
0x39: {  	_ = 	snop;
	(pc) =	sbr.ind lr, $3  }
0x3a: {  	_ = 	snop  }
0x3b: {  	_ = 	snop  }
0x3c: {  	p2 =	seq.s32 s10, $0x1;
	s10 =	sld [smem:$0x3FAC]  }
0x3d: {  	_ =	shalt  }
0x3e: {  	_ =	shalt  }
0x3f: {  	_ =	shalt  }
0x40: {  	_ =	shalt  }
0x41: {  	_ =	shalt  }
0x42: {  	_ =	shalt  }
0x43: {  	_ =	shalt  }
0x44: {  	_ =	shalt  }
0x45: {  	_ =	shalt  }
0x46: {  	_ =	shalt  }
0x47: {  	_ =	shalt  }
0x48: {  	_ =	shalt  }
0x49: {  	_ =	shalt  }
0x4a: {  	_ =	shalt  }
0x4b: {  	_ =	shalt  }
0x4c: {  	_ =	shalt  }
0x4d: {  	_ =	shalt  }
0x4e: {  	_ =	shalt  }
0x4f: {  	_ =	shalt  }
0x50: {  	_ =	shalt  }
0x51: {  	_ =	shalt  }
0x52: {  	_ =	shalt  }
0x53: {  	_ =	shalt  }
0x54: {  	_ =	shalt  }
0x55: {  	_ =	shalt  }
0x56: {  	_ =	shalt  }
0x57: {  	_ =	shalt  }
0x58: {  	_ =	shalt  }
0x59: {  	_ =	shalt  }
0x5a: {  	_ =	shalt  }
0x5b: {  	_ =	shalt  }
0x5c: {  	_ =	shalt  }
0x5d: {  	_ =	shalt  }
0x5e: {  	_ =	shalt  }
0x5f: {  	_ =	shalt  }
0x60: {  	_ =	shalt  }
0x61: {  	_ =	shalt  }
0x62: {  	_ =	shalt  }
0x63: {  	_ =	shalt  }
0x64: {  	_ =	shalt  }
0x65: {  	_ =	shalt  }
0x66: {  	_ =	shalt  }
0x67: {  	_ =	shalt  }
0x68: {  	_ =	shalt  }
0x69: {  	_ =	shalt  }
0x6a: {  	_ =	shalt  }
0x6b: {  	_ =	shalt  }
0x6c: {  	_ =	shalt  }
0x6d: {  	_ =	shalt  }
0x6e: {  	_ =	shalt  }
0x6f: {  	_ =	shalt  }
0x70: {  	_ =	shalt  }
0x71: {  	_ =	shalt  }
0x72: {  	_ =	shalt  }
0x73: {  	_ =	shalt  }
0x74: {  	_ =	shalt  }
0x75: {  	_ =	shalt  }
0x76: {  	_ =	shalt  }
0x77: {  	_ =	shalt  }
0x78: {  	_ =	shalt  }
0x79: {  	_ =	shalt  }
0x7a: {  	_ =	shalt  }
0x7b: {  	_ =	shalt  }
0x7c: {  	_ =	shalt  }
0x7d: {  	_ =	shalt  }
0x7e: {  	_ =	shalt  }
0x7f: {  	_ =	shalt  }
0x80: {  	_ =	shalt  }
0x81: {  	_ =	shalt  }
0x82: {  	_ =	shalt  }
0x83: {  	_ =	shalt  }
0x84: {  	_ =	shalt  }
0x85: {  	_ =	shalt  }
0x86: {  	_ =	shalt  }
0x87: {  	_ =	shalt  }
.Lfunc_end0:
.L_simem_size_0:
called_computation.2_lowered:
.L_overlay_start_0:
0x88: {  	s2 =	sld [smem:$0x3FD9]  }
0x89: {  	s3 =	sld [smem:$0x3FFE];
	_ =	sdelay $0x1  }
0x8a: {  	s1 =	srdreg.scid  }
0x8b: {  	s0 =	sand.u32 $0x1, s1  }
0x8c: {  	s17 =	sshll.u32 s0, $0xA;
	s2 =	sadd.s32 s3, s2  }
0x8d: {  	s2 =	sadd.s32 s2, s17  }
0x8e: {  	[smem:$0x3FB8] =	sst s2  }
0x8f: {  	_ = 	snop  }
0x90: {  	s2 =	sld [smem:$0x3FD0];
	(tm) =	ssettm $0x1  }
0x91: {  	s18 =	sld [smem:$0x3FFB];
	_ =	sdelay $0x3  }
0x92: {  	_ =	strace s18  }
0x93: {  	s3 =	sld [smem:$0x3FFC];
	_ =	sdelay $0x3  }
0x94: {  	_ =	strace s3  }
0x95: {  	s3 =	sld [smem:$0x3FFD];
	_ =	sdelay $0x3  }
0x96: {  	_ =	strace s3  }
0x97: {  	_ =	strace $0x8FFFFFFF  }
0x98: {  	s19 =	sld [smem:$0x3FDB];
	_ =	sdelay $0x1  }
0x99: {  	s4 =	simm.s32 $_scs_section_size  }
0x9a: {  	s5 =	simm.s32 $_size__tile_overlayer_lowered;
	s6 =	simm.s32 $_tile_overlayer_lowered  }
0x9b: {  	s22 =	simm.s32 $0x1BFF;
	s21 =	sshll.u32 s6, $0x1;
	s3 =	sadd.s32 s4, s19  }
0x9c: {  	s7 =	simm.s32 $0x0;
	s20 =	sshll.u32 s5, $0x1;
	s5 =	sadd.s32 s21, s3  }
0x9d: {  	[timem:s7], [sflag:s22] =	dma.local [hbm:s5], s20  }
0x9e: {  	_ =	swait.ge [sflag:s22], s20  }
0x9f: {  	s4 =	ssub.s32 $0x0, s20;
	[sflag:s22] =	ssyncset.done $0x0  }
0xa0: {  	[sflag:s22] =	ssyncadd.s32 s4;
	_ =	sdelay $0x1  }
0xa1: {  	s23 =	simm.s32 $0x1B8B  }
0xa2: {  	_ =	swait.ge [sflag:s23], $0x1  }
0xa3: {  	[sflag:s23] =	ssyncset.done $0x0  }
0xa4: {  	s25 =	simm.s32 $0x1B8E;
	s24 =	sld [smem:$0x3FFE];
	[sflag:s23] =	ssyncadd.s32 $0xFFFFFFFF  }
0xa5: {  	s26 =	simm.s32 $execute0_lowered;
	[smem:$0x3FD2] =	sst s25  }
0xa6: {  	s5 =	sshll.u32 s26, $0x1;
	_ =	strace $0x8000004C;
	[dreg:$0x1] =	wrdreg $0xFFFFFFFF  }
0xa7: {  	s28 =	simm.s32 $_size_execute0_lowered;
	s3 =	sadd.s32 s3, s5;
	[dreg:$0x0] =	wrdreg $0x0  }
0xa8: {  	s5 =	sshll.u32 s28, $0x1;
	[dreg:$0x2] =	wrdreg s3  }
0xa9: {  	[dreg:$0x3] =	wrdreg s5  }
0xaa: {  	[dreg:$0x4] =	wrdreg $0xC0  }
0xab: {  	_ =	task [dreg:s7], $0x5FFFF  }
0xac: {  	[dreg:$0x1] =	wrdreg $0xFFFFFFFF  }
0xad: {  	[dreg:$0x0] =	wrdreg $0x60  }
0xae: {  	[dreg:$0x2] =	wrdreg s24  }
0xaf: {  	[dreg:$0x3] =	wrdreg s2  }
0xb0: {  	[dreg:$0x4] =	wrdreg $0xA0000  }
0xb1: {  	[dreg:$0x5] =	wrdreg $0x9  }
0xb2: {  	_ =	task.clear_ibuf [dreg:s7], $0x6FFFF;
	_ =	strace $0x9000004C  }
0xb3: {  	s29 =	simm.s32 $0x9;
	_ =	strace $0x8000004E  }
0xb4: {  	_ =	swait.ge [sflag:s29], $0x1  }
0xb5: {  	[sflag:s29] =	ssyncadd.s32 $0xFFFFFFFF  }
0xb6: {  	_ =	strace $0x9000004E  }
0xb7: {  	_ =	sfence  }
0xb8: {  	s30 =	sld [smem:$0x0];
	_ =	sdelay $0x2  }
0xb9: {  	s31 =	sshll.u32 s1, $0xD;
	s1 =	sshrl.u32 s1, $0x2  }
0xba: {  	s3 =	sand.u32 $0x4000, s31;
	s1 =	sadd.s32 s1, s30  }
0xbb: {  	s0 =	sor.u32 s3, s0;
	s1 =	sshll.u32 s1, $0x11  }
0xbc: {  	s0 =	sor.u32 s1, s0  }
0xbd: {  	s0 =	sadd.s32 $0x8F2B, s0  }
0xbe: {  	[sflag:s0] =	ssyncadd.remote.s32 $0x1  }
0xbf: {  	_ =	sfence.sel $0xFFFF  }
0xc0: {  	[dreg:$0x0] =	wrdreg $0xFFFFFFFF;
	(pc) =	sbr.abs _section_cstart, $3  }
0xc1: {  	[dreg:$0x1] =	wrdreg $0xFFFFFFFF  }
0xc2: {  	_ =	task.clear_ibuf [dreg:s7], $0x2FFFF;
	_ =	strace $0x9FFFFFFF  }
0xc3: {  	(tm) =	ssettm $0x7FFFFFFF  }
tec
execute0_lowered:
.L_overlay_start_1:
0x0: {  	(tag) =	ssettag $0x1  }
0x1: {  	s5 =	rddreg [dreg:$0x0]  }
0x2: {  	s9 =	rddreg [dreg:$0x1]  }
0x3: {  	s1 =	rddreg [dreg:$0x2]  }
0x4: {  	s0 =	rddreg [dreg:$0x3];
	s3 =	simm.s32 $0x0;
	s4 =	srdreg.scid  }
0x5: {  	s2 =	stileid.u32;
	s15 =	simm.s32 $0x6000;
	s16 =	simm.s32 $0x1  }
0x6: {  	s17 =	simm.s32 $0x0;
	s6 =	sand.u32 $0x1, s4;
	s4 =	smul.u32 $0x60, s2  }
0x7: {  	[smem:$0x7FF] =	sst s3;
	s7 =	sshll.u32 s2, $0x6;
	s10 =	smul.u32 $0x13C00, s2  }
0x8: {  	s13 =	smul.u32 $0x4F000, s2;
	p0 =	seq.s32 s6, $0x0;
	s8 =	sadd.s32 $0x600, s7  }
0x9: {  	s11 =	smul.u32 $0x13C000, s6;
	_ =	strace $0x8000004D;
	s6 =	ssub.s32 $0x2, s6  }
0xa: {  	s7 =	sor.u32 $0x1C02, s7;
	s8 =	smov.u32 @p0 s4;
	s4 =	sadd.s32 $0x35400, s5  }
0xb: {  	s14 =	sshrl.u32 s6, $0x1;
	s13 =	sshrl.u32 s13, $0x2;
	s12 =	sshll.u32 s8, $0x4  }
0xc: {  	s11 =	sadd.s32 s10, s11;
	s10 =	sshrl.u32 s10, $0x3;
	s14 =	ssub.s32 s6, s14  }
0xd: {  	s13 =	sadd.s32 s13, s1;
	s8 =	sadd.s32 s12, s5;
	s11 =	sshrl.u32 s11, $0x3  }
0xe: {  	s10 =	sadd.s32 s10, s5;
	s9 =	sadd.s32 s9, s12;
	s12 =	sshrl.u32 s13, $0x3  }
0xf: {  	s13 =	simm.s32 $0x2;
	s11 =	sadd.s32 s11, s5;
	s5 =	simm.s32 $0x60  }
0x10: {  	s6 =	sadd.s32 $0xDC00, s10;
	s8 =	sadd.s32 $0x84400, s8;
	s5 =	simm.s32 @!p0 $0x40  }
0x11: {  	s10 =	sadd.s32 $0x8EA00, s11;
	s11 =	smax.u32 s14, $0x1;
	s14 =	simm.s32 $0x80  }
.LBB2_1:
0x12: {  	[spmem:s12], [sflag:s7] =	dma.local [hbm:s6], $0x2780  }
0x13: {  	_ =	swait.ge [sflag:s13], $0x2780  }
0x14: {  	[sflag:s13] =	ssyncset.done $0x0  }
0x15: {  	[sflag:s13] =	ssyncadd.s32 $0xFFFFD880  }
0x16: {  	[tilespmem:s3], [sflag:$0x2] =	stream.linear.gather [hbm4b:s8+s3], $0x3000, $0x38;
	[tilespmem:$0x1DC00] =	vst v63  }
0x17: {  	_ =	swait.ge [sflag:s13], $0x3000  }
0x18: {  	[sflag:s13] =	ssyncset.done $0x0  }
0x19: {  	s18 =	simm.s32 $0x3000;
	[sflag:s13] =	ssyncadd.s32 $0xFFFFD000  }
0x1a: {  	[tilespmem:s18], [sflag:$0x2] =	stream.linear.gather [hbm4b:s9+s3], $0x3000, $0x38;
	[tilespmem:$0x1DC00] =	vst v63  }
0x1b: {  	_ =	swait.ge [sflag:s13], $0x3000  }
0x1c: {  	[sflag:s13] =	ssyncset.done $0x0  }
0x1d: {  	[sflag:s13] =	ssyncadd.s32 $0xFFFFD000  }
0x1e: {  	[bflag:$0x0] =	sbarrier.arrive $0xFFFF  }
0x1f: {  	[tilespmem:s15], [sflag:$0x1] =	stream.indirect.gather [hbm4b:s4+s14], $0x80, s3, s14, $0xb8;
	[tilespmem:$0x1DC00] =	vst v63  }
0x20: {  	p0 =	sne.s32 s5, $0x1;
	_ =	swait.ge [sflag:s16], $0x4000  }
.Ltmp0:
0x21: {  	[sflag:s16] =	ssyncset.done $0x0;
	(pc) =	sbr.rel @!p0 .LBB2_3-.Ltmp0, $4  }
0x22: {  	[sflag:s16] =	ssyncadd.s32 $0xFFFFC000  }
0x23: {  	[spmem:s1] =	stream.indirect.scatter.add.f32 [tilespmem:s15], [sflag:$0x2], $0x80, s18, s14, $0xb8;
	[tilespmem:$0x1DC00] =	vst v63  }
0x24: {  	_ =	swait.ge [sflag:s13], $0x4000  }
0x25: {  	s19 =	sadd.s32 $0xFFFFFFFF, s5;
	s20 =	simm.s32 $0x0;
	[sflag:s13] =	ssyncset.done $0x0  }
.LBB2_2:
0x26: {  	[sflag:s13] =	ssyncadd.s32 $0xFFFFC000;
	s20 =	sadd.s32 $0x80, s20;
	s18 =	sadd.s32 $0x80, s18  }
0x27: {  	[tilespmem:s15], [sflag:$0x1] =	stream.indirect.gather [hbm4b:s4+s14], $0x80, s20, s14, $0xb8;
	[tilespmem:$0x1DC00] =	vst v63  }
0x28: {  	p0 =	sne.s32 s19, $0x1;
	s19 =	sadd.s32 $0xFFFFFFFF, s19;
	_ =	swait.ge [sflag:s16], $0x4000  }
.Ltmp1:
0x29: {  	[sflag:s16] =	ssyncset.done $0x0;
	(pc) =	sbr.rel @p0 .LBB2_2-.Ltmp1, $4  }
0x2a: {  	[sflag:s16] =	ssyncadd.s32 $0xFFFFC000  }
0x2b: {  	[spmem:s1] =	stream.indirect.scatter.add.f32 [tilespmem:s15], [sflag:$0x2], $0x80, s18, s14, $0xb8;
	[tilespmem:$0x1DC00] =	vst v63  }
0x2c: {  	_ =	swait.ge [sflag:s13], $0x4000  }
0x2d: {  	[sflag:s13] =	ssyncset.done $0x0  }
.LBB2_3:
0x2e: {  	s17 =	sadd.s32 $0x1, s17  }
0x2f: {  	[sflag:s13] =	ssyncadd.s32 $0xFFFFC000;
	p0 =	sne.s32 s17, s11  }
.Ltmp2:
0x30: {  	[bflag:$0x0] =	sbarrier.arrive $0xFFFF;
	(pc) =	sbr.rel @p0 .LBB2_1-.Ltmp2, $4  }
0x31: {  	[hbm:s10], [sflag:s7] =	dma.local [spmem:s12], $0x2780  }
0x32: {  	_ =	swait.ge [sflag:s13], $0x2780  }
0x33: {  	[sflag:s13] =	ssyncset.done $0x0  }
0x34: {  	[sflag:s13] =	ssyncadd.s32 $0xFFFFD880  }
0x35: {  	_ =	sfence.sel $0x180000  }
0x36: {  	[bflag:$0x0] =	sbarrier.arrive $0xFFFF  }
0x37: {  	p0 =	sne.s32 s2, $0x0;
	_ =	strace $0x9000004D  }
0x38: {  	s0 =	sadd.s32 @!p0 $0x100000, s0;
	[bflag:$0x2] =	sbarrier.arrive $0xFFFF  }
0x39: {  	[sflag:s0] =	ssyncadd.tile.s32 @!p0 $0x1;
	_ =	shalt  }
.Lfunc_end2:
_tile_overlayer_lowered:
.L_overlay_start_2:
0x3a: {  	(tag) =	ssettag $0x2  }
0x3b: {  	s0 =	rddreg [dreg:$0x0];
	s2 =	stileid.u32  }
0x3c: {  	s1 =	rddreg [dreg:$0x1];
	p0 =	sne.s32 s2, $0x0  }
0x3d: {  	s3 =	rddreg [dreg:$0x2];
	[bflag:$0x3] =	sbarrier.arrive $0xFFFF;
	s2 =	simm.s32 @!p0 $0x1C02  }
0x3e: {  	[timem:s3], [sflag:s2] =	dma.local @!p0 [hbm:s0], s1  }
0x3f: {  	s0 =	simm.s32 @!p0 $0x2  }
0x40: {  	_ =	swait.ge @!p0 [sflag:s0], s1  }
0x41: {  	s1 =	ssub.s32 @!p0 $0x0, s1;
	[sflag:s0] =	ssyncset.done @!p0 $0x0  }
0x42: {  	[sflag:s0] =	ssyncadd.s32 @!p0 s1  }
0x43: {  	[bflag:$0x3] =	sbarrier.arrive $0xFFFF  }
0x44: {  	_ =	shalt  }

// kernel: kernel.19.cloned.1.call-start
scs
__scs_entry_jumppad:
0x0: {  	(pc) =	sbr.rel $0x88, $3  }
0x1: {  	(tag) =	ssettag $0x0;
	lr =	simm.s32 $0x1  }
0x2: {  	[smem:$0x3F91] =	sst lr;
	_ =	strace $0xD0000000  }
0x3: {  	_ = 	snop  }
0x4: {  	_ = 	snop  }
0x5: {  	_ = 	snop  }
0x6: {  	_ = 	snop  }
0x7: {  	_ = 	snop  }
__scs_overlays_trampoline_lowered:
0x8: {  	[smem:$0x3FA0] =	sst s0  }
0x9: {  	[smem:$0x3FA1] =	sst s1  }
0xa: {  	[smem:$0x3FA2] =	sst s2  }
0xb: {  	[smem:$0x3FA3] =	sst s3  }
0xc: {  	[smem:$0x3FA4] =	sst s4  }
0xd: {  	[smem:$0x3FA5] =	sst s5  }
0xe: {  	[smem:$0x3FA6] =	sst s6  }
0xf: {  	[smem:$0x3FA7] =	sst s7  }
0x10: {  	[smem:$0x3FA8] =	sst s8  }
0x11: {  	[smem:$0x3FA9] =	sst s9;
	s0 =	simm.s32 @!p0 $0x0  }
0x12: {  	s1 =	sld [smem:$0x3F8F];
	s0 =	simm.s32 @p0 $0x1  }
0x13: {  	[smem:$0x3FAA] =	sst s0;
	s0 =	simm.s32 @!p1 $0x0  }
0x14: {  	s2 =	sld [smem:$0x3F8E];
	s0 =	simm.s32 @p1 $0x1  }
0x15: {  	[smem:$0x3FAB] =	sst s0;
	s0 =	simm.s32 @!p2 $0x0  }
0x16: {  	s3 =	sld [smem:$0x3FDB];
	s0 =	simm.s32 @p2 $0x1  }
0x17: {  	s4 =	simm.s32 $0x1BF5;
	[smem:$0x3FAD] =	sst s0  }
0x18: {  	s0 =	sld [smem:$0x3F90];
	_ =	swait.ge [sflag:s4], $0x0  }
0x19: {  	s7 =	sld [smem:$0x3F91]  }
0x1a: {  	s8 =	sadd.s32 $0xFFFFE003, lr  }
0x1b: {  	s9 =	sadd.s32 $0xFFFFFEF7, lr;
	s5 =	simm.s32 $0xFFFFFFFF;
	p2 =	slt.u32 s8, $0xFFFFF086  }
0x1c: {  	p1 =	slt.u32 s9, $0xF7A;
	s5 =	simm.s32 @!p2 $0x0  }
0x1d: {  	s5 =	simm.s32 @p1 $0x1;
	p0 =	seq.s32 s7, s2  }
0x1e: {  	s7 =	smul.u32 @!p0 $0xF7A, s2;
	p2 =	seq.s32 @!p0 s5, $0x0  }
0x1f: {  	s9 =	smul.u32 $0xF7A, s1;
	s8 =	simm.s32 @!p0 $0x1BF5;
	p2 =	por !p2, p0  }
0x20: {  	[sflag:s8] =	ssyncset.s32 @!p0 $0xFFFFF086;
	s6 =	sadd.s32 @!p0 s3, s7;
	s7 =	simm.s32 @!p0 $0x108  }
0x21: {  	s3 =	sadd.s32 s3, s9;
	s6 =	sadd.s32 @!p0 $0x88, s6;
	s7 =	simm.s32 @p2 $0x1082  }
0x22: {  	[simem:s7], [sflag:s8] =	dma.local @!p0 [hbm:s6], $0xF7A  }
0x23: {  	s9 =	sor.u32 $0xD0000000, s2;
	s6 =	simm.s32 $0x108;
	_ =	swait.ge @!p0 [sflag:s8], $0x0  }
0x24: {  	s3 =	sadd.s32 $0x88, s3;
	s6 =	simm.s32 @!p1 $0x1082;
	[sflag:s4] =	ssyncset.s32 $0xFFFFF086  }
0x25: {  	[simem:s6], [sflag:s4] =	dma.local [hbm:s3], $0xF7A  }
0x26: {  	[smem:$0x3F91] =	sst s1;
	(tag) =	ssettag s2;
	_ =	strace s9  }
0x27: {  	s1 =	sld [smem:$0x3FA1]  }
0x28: {  	s2 =	sld [smem:$0x3FA2]  }
0x29: {  	s4 =	sld [smem:$0x3FA4]  }
0x2a: {  	p0 =	seq.s32 s5, $0x0;
	s5 =	sld [smem:$0x3FA5]  }
0x2b: {  	s6 =	sld [smem:$0x3FA6]  }
0x2c: {  	s7 =	sld [smem:$0x3FA7]  }
0x2d: {  	s3 =	simm.s32 $0x108;
	s8 =	sld [smem:$0x3FA8]  }
0x2e: {  	s3 =	simm.s32 @!p0 $0x1082;
	s9 =	sld [smem:$0x3FA9]  }
0x2f: {  	lr =	sadd.s32 s0, s3;
	s0 =	sld [smem:$0x3FA0]  }
0x30: {  	s3 =	sld [smem:$0x3FA3]  }
0x31: {  	[smem:$0x3FAC] =	sst s10  }
0x32: {  	s10 =	sld [smem:$0x3FAA];
	_ =	sdelay $0x3  }
0x33: {  	p0 =	seq.s32 s10, $0x1;
	s10 =	sld [smem:$0x3FAC];
	_ =	sdelay $0x3  }
0x34: {  	[smem:$0x3FAC] =	sst s10  }
0x35: {  	s10 =	sld [smem:$0x3FAB];
	_ =	sdelay $0x3  }
0x36: {  	p1 =	seq.s32 s10, $0x1;
	s10 =	sld [smem:$0x3FAC];
	_ =	sdelay $0x3  }
0x37: {  	[smem:$0x3FAC] =	sst s10  }
0x38: {  	s10 =	sld [smem:$0x3FAD]  }
0x39: {  	_ = 	snop;
	(pc) =	sbr.ind lr, $3  }
0x3a: {  	_ = 	snop  }
0x3b: {  	_ = 	snop  }
0x3c: {  	p2 =	seq.s32 s10, $0x1;
	s10 =	sld [smem:$0x3FAC]  }
0x3d: {  	_ =	shalt  }
0x3e: {  	_ =	shalt  }
0x3f: {  	_ =	shalt  }
0x40: {  	_ =	shalt  }
0x41: {  	_ =	shalt  }
0x42: {  	_ =	shalt  }
0x43: {  	_ =	shalt  }
0x44: {  	_ =	shalt  }
0x45: {  	_ =	shalt  }
0x46: {  	_ =	shalt  }
0x47: {  	_ =	shalt  }
0x48: {  	_ =	shalt  }
0x49: {  	_ =	shalt  }
0x4a: {  	_ =	shalt  }
0x4b: {  	_ =	shalt  }
0x4c: {  	_ =	shalt  }
0x4d: {  	_ =	shalt  }
0x4e: {  	_ =	shalt  }
0x4f: {  	_ =	shalt  }
0x50: {  	_ =	shalt  }
0x51: {  	_ =	shalt  }
0x52: {  	_ =	shalt  }
0x53: {  	_ =	shalt  }
0x54: {  	_ =	shalt  }
0x55: {  	_ =	shalt  }
0x56: {  	_ =	shalt  }
0x57: {  	_ =	shalt  }
0x58: {  	_ =	shalt  }
0x59: {  	_ =	shalt  }
0x5a: {  	_ =	shalt  }
0x5b: {  	_ =	shalt  }
0x5c: {  	_ =	shalt  }
0x5d: {  	_ =	shalt  }
0x5e: {  	_ =	shalt  }
0x5f: {  	_ =	shalt  }
0x60: {  	_ =	shalt  }
0x61: {  	_ =	shalt  }
0x62: {  	_ =	shalt  }
0x63: {  	_ =	shalt  }
0x64: {  	_ =	shalt  }
0x65: {  	_ =	shalt  }
0x66: {  	_ =	shalt  }
0x67: {  	_ =	shalt  }
0x68: {  	_ =	shalt  }
0x69: {  	_ =	shalt  }
0x6a: {  	_ =	shalt  }
0x6b: {  	_ =	shalt  }
0x6c: {  	_ =	shalt  }
0x6d: {  	_ =	shalt  }
0x6e: {  	_ =	shalt  }
0x6f: {  	_ =	shalt  }
0x70: {  	_ =	shalt  }
0x71: {  	_ =	shalt  }
0x72: {  	_ =	shalt  }
0x73: {  	_ =	shalt  }
0x74: {  	_ =	shalt  }
0x75: {  	_ =	shalt  }
0x76: {  	_ =	shalt  }
0x77: {  	_ =	shalt  }
0x78: {  	_ =	shalt  }
0x79: {  	_ =	shalt  }
0x7a: {  	_ =	shalt  }
0x7b: {  	_ =	shalt  }
0x7c: {  	_ =	shalt  }
0x7d: {  	_ =	shalt  }
0x7e: {  	_ =	shalt  }
0x7f: {  	_ =	shalt  }
0x80: {  	_ =	shalt  }
0x81: {  	_ =	shalt  }
0x82: {  	_ =	shalt  }
0x83: {  	_ =	shalt  }
0x84: {  	_ =	shalt  }
0x85: {  	_ =	shalt  }
0x86: {  	_ =	shalt  }
0x87: {  	_ =	shalt  }
.Lfunc_end0:
.L_simem_size_0:
called_computation.3_lowered:
.L_overlay_start_0:
0x88: {  	s2 =	sld [smem:$0x3FD9]  }
0x89: {  	s3 =	sld [smem:$0x3FFE];
	_ =	sdelay $0x1  }
0x8a: {  	s1 =	srdreg.scid  }
0x8b: {  	s0 =	sand.u32 $0x1, s1  }
0x8c: {  	s17 =	sshll.u32 s0, $0xA;
	s2 =	sadd.s32 s3, s2  }
0x8d: {  	s2 =	sadd.s32 s2, s17  }
0x8e: {  	[smem:$0x3FB8] =	sst s2  }
0x8f: {  	_ = 	snop  }
0x90: {  	s2 =	sld [smem:$0x3FD0];
	(tm) =	ssettm $0x1  }
0x91: {  	s18 =	sld [smem:$0x3FFB];
	_ =	sdelay $0x3  }
0x92: {  	_ =	strace s18  }
0x93: {  	s3 =	sld [smem:$0x3FFC];
	_ =	sdelay $0x3  }
0x94: {  	_ =	strace s3  }
0x95: {  	s3 =	sld [smem:$0x3FFD];
	_ =	sdelay $0x3  }
0x96: {  	_ =	strace s3  }
0x97: {  	_ =	strace $0x8FFFFFFF  }
0x98: {  	s19 =	sld [smem:$0x3FDB];
	_ =	sdelay $0x1  }
0x99: {  	s4 =	simm.s32 $_scs_section_size  }
0x9a: {  	s5 =	simm.s32 $_size__tile_overlayer_lowered;
	s6 =	simm.s32 $_tile_overlayer_lowered  }
0x9b: {  	s22 =	simm.s32 $0x1BFF;
	s21 =	sshll.u32 s6, $0x1;
	s3 =	sadd.s32 s4, s19  }
0x9c: {  	s7 =	simm.s32 $0x0;
	s20 =	sshll.u32 s5, $0x1;
	s5 =	sadd.s32 s21, s3  }
0x9d: {  	[timem:s7], [sflag:s22] =	dma.local [hbm:s5], s20  }
0x9e: {  	_ =	swait.ge [sflag:s22], s20  }
0x9f: {  	s4 =	ssub.s32 $0x0, s20;
	[sflag:s22] =	ssyncset.done $0x0  }
0xa0: {  	[sflag:s22] =	ssyncadd.s32 s4;
	_ =	sdelay $0x1  }
0xa1: {  	s23 =	simm.s32 $0x1B8B  }
0xa2: {  	_ =	swait.ge [sflag:s23], $0x1  }
0xa3: {  	[sflag:s23] =	ssyncset.done $0x0  }
0xa4: {  	s25 =	simm.s32 $0x1B8E;
	s24 =	sld [smem:$0x3FFE];
	[sflag:s23] =	ssyncadd.s32 $0xFFFFFFFF  }
0xa5: {  	s26 =	simm.s32 $execute0_lowered;
	[smem:$0x3FD2] =	sst s25  }
0xa6: {  	s5 =	sshll.u32 s26, $0x1;
	_ =	strace $0x8000004F;
	[dreg:$0x1] =	wrdreg $0xFFFFFFFF  }
0xa7: {  	s28 =	simm.s32 $_size_execute0_lowered;
	s3 =	sadd.s32 s3, s5;
	[dreg:$0x0] =	wrdreg $0x0  }
0xa8: {  	s5 =	sshll.u32 s28, $0x1;
	[dreg:$0x2] =	wrdreg s3  }
0xa9: {  	[dreg:$0x3] =	wrdreg s5  }
0xaa: {  	[dreg:$0x4] =	wrdreg $0xC0  }
0xab: {  	_ =	task [dreg:s7], $0x5FFFF  }
0xac: {  	[dreg:$0x1] =	wrdreg $0xFFFFFFFF  }
0xad: {  	[dreg:$0x0] =	wrdreg $0x60  }
0xae: {  	[dreg:$0x2] =	wrdreg s24  }
0xaf: {  	[dreg:$0x3] =	wrdreg s2  }
0xb0: {  	[dreg:$0x4] =	wrdreg $0xA0000  }
0xb1: {  	[dreg:$0x5] =	wrdreg $0x9  }
0xb2: {  	_ =	task.clear_ibuf [dreg:s7], $0x6FFFF;
	_ =	strace $0x9000004F  }
0xb3: {  	s29 =	simm.s32 $0x9;
	_ =	strace $0x80000051  }
0xb4: {  	_ =	swait.ge [sflag:s29], $0x1  }
0xb5: {  	[sflag:s29] =	ssyncadd.s32 $0xFFFFFFFF  }
0xb6: {  	_ =	strace $0x90000051  }
0xb7: {  	_ =	sfence  }
0xb8: {  	s30 =	sld [smem:$0x0];
	_ =	sdelay $0x2  }
0xb9: {  	s31 =	sshll.u32 s1, $0xD;
	s1 =	sshrl.u32 s1, $0x2  }
0xba: {  	s3 =	sand.u32 $0x4000, s31;
	s1 =	sadd.s32 s1, s30  }
0xbb: {  	s0 =	sor.u32 s3, s0;
	s1 =	sshll.u32 s1, $0x11  }
0xbc: {  	s0 =	sor.u32 s1, s0  }
0xbd: {  	s0 =	sadd.s32 $0x8F2B, s0  }
0xbe: {  	[sflag:s0] =	ssyncadd.remote.s32 $0x1  }
0xbf: {  	_ =	sfence.sel $0xFFFF  }
0xc0: {  	[dreg:$0x0] =	wrdreg $0xFFFFFFFF;
	(pc) =	sbr.abs _section_cstart, $3  }
0xc1: {  	[dreg:$0x1] =	wrdreg $0xFFFFFFFF  }
0xc2: {  	_ =	task.clear_ibuf [dreg:s7], $0x2FFFF;
	_ =	strace $0x9FFFFFFF  }
0xc3: {  	(tm) =	ssettm $0x7FFFFFFF  }
tec
execute0_lowered:
.L_overlay_start_1:
0x0: {  	(tag) =	ssettag $0x1  }
0x1: {  	s5 =	rddreg [dreg:$0x0]  }
0x2: {  	s9 =	rddreg [dreg:$0x1]  }
0x3: {  	s1 =	rddreg [dreg:$0x2]  }
0x4: {  	s0 =	rddreg [dreg:$0x3];
	s3 =	simm.s32 $0x0;
	s4 =	srdreg.scid  }
0x5: {  	s2 =	stileid.u32;
	s15 =	simm.s32 $0x6000;
	s16 =	simm.s32 $0x1  }
0x6: {  	s17 =	simm.s32 $0x0;
	s6 =	sand.u32 $0x1, s4;
	s4 =	smul.u32 $0x60, s2  }
0x7: {  	[smem:$0x7FF] =	sst s3;
	s7 =	sshll.u32 s2, $0x6;
	s10 =	smul.u32 $0x13C00, s2  }
0x8: {  	s13 =	smul.u32 $0x4F000, s2;
	p0 =	seq.s32 s6, $0x0;
	s8 =	sadd.s32 $0x600, s7  }
0x9: {  	s11 =	smul.u32 $0x13C000, s6;
	_ =	strace $0x80000050;
	s6 =	ssub.s32 $0x2, s6  }
0xa: {  	s7 =	sor.u32 $0x1C02, s7;
	s8 =	smov.u32 @p0 s4;
	s4 =	sadd.s32 $0x35400, s5  }
0xb: {  	s14 =	sshrl.u32 s6, $0x1;
	s13 =	sshrl.u32 s13, $0x2;
	s12 =	sshll.u32 s8, $0x4  }
0xc: {  	s11 =	sadd.s32 s10, s11;
	s10 =	sshrl.u32 s10, $0x3;
	s14 =	ssub.s32 s6, s14  }
0xd: {  	s13 =	sadd.s32 s13, s1;
	s8 =	sadd.s32 s12, s5;
	s11 =	sshrl.u32 s11, $0x3  }
0xe: {  	s10 =	sadd.s32 s10, s5;
	s9 =	sadd.s32 s9, s12;
	s12 =	sshrl.u32 s13, $0x3  }
0xf: {  	s13 =	simm.s32 $0x2;
	s11 =	sadd.s32 s11, s5;
	s5 =	simm.s32 $0x60  }
0x10: {  	s6 =	sadd.s32 $0xDC00, s10;
	s8 =	sadd.s32 $0x84400, s8;
	s5 =	simm.s32 @!p0 $0x40  }
0x11: {  	s10 =	sadd.s32 $0x8EA00, s11;
	s11 =	smax.u32 s14, $0x1;
	s14 =	simm.s32 $0x80  }
.LBB2_1:
0x12: {  	[spmem:s12], [sflag:s7] =	dma.local [hbm:s6], $0x2780  }
0x13: {  	_ =	swait.ge [sflag:s13], $0x2780  }
0x14: {  	[sflag:s13] =	ssyncset.done $0x0  }
0x15: {  	[sflag:s13] =	ssyncadd.s32 $0xFFFFD880  }
0x16: {  	[tilespmem:s3], [sflag:$0x2] =	stream.linear.gather [hbm4b:s8+s3], $0x3000, $0x38;
	[tilespmem:$0x1DC00] =	vst v63  }
0x17: {  	_ =	swait.ge [sflag:s13], $0x3000  }
0x18: {  	[sflag:s13] =	ssyncset.done $0x0  }
0x19: {  	s18 =	simm.s32 $0x3000;
	[sflag:s13] =	ssyncadd.s32 $0xFFFFD000  }
0x1a: {  	[tilespmem:s18], [sflag:$0x2] =	stream.linear.gather [hbm4b:s9+s3], $0x3000, $0x38;
	[tilespmem:$0x1DC00] =	vst v63  }
0x1b: {  	_ =	swait.ge [sflag:s13], $0x3000  }
0x1c: {  	[sflag:s13] =	ssyncset.done $0x0  }
0x1d: {  	[sflag:s13] =	ssyncadd.s32 $0xFFFFD000  }
0x1e: {  	[bflag:$0x0] =	sbarrier.arrive $0xFFFF  }
0x1f: {  	[tilespmem:s15], [sflag:$0x1] =	stream.indirect.gather [hbm4b:s4+s14], $0x80, s3, s14, $0xb8;
	[tilespmem:$0x1DC00] =	vst v63  }
0x20: {  	p0 =	sne.s32 s5, $0x1;
	_ =	swait.ge [sflag:s16], $0x4000  }
.Ltmp0:
0x21: {  	[sflag:s16] =	ssyncset.done $0x0;
	(pc) =	sbr.rel @!p0 .LBB2_3-.Ltmp0, $4  }
0x22: {  	[sflag:s16] =	ssyncadd.s32 $0xFFFFC000  }
0x23: {  	[spmem:s1] =	stream.indirect.scatter.add.f32 [tilespmem:s15], [sflag:$0x2], $0x80, s18, s14, $0xb8;
	[tilespmem:$0x1DC00] =	vst v63  }
0x24: {  	_ =	swait.ge [sflag:s13], $0x4000  }
0x25: {  	s19 =	sadd.s32 $0xFFFFFFFF, s5;
	s20 =	simm.s32 $0x0;
	[sflag:s13] =	ssyncset.done $0x0  }
.LBB2_2:
0x26: {  	[sflag:s13] =	ssyncadd.s32 $0xFFFFC000;
	s20 =	sadd.s32 $0x80, s20;
	s18 =	sadd.s32 $0x80, s18  }
0x27: {  	[tilespmem:s15], [sflag:$0x1] =	stream.indirect.gather [hbm4b:s4+s14], $0x80, s20, s14, $0xb8;
	[tilespmem:$0x1DC00] =	vst v63  }
0x28: {  	p0 =	sne.s32 s19, $0x1;
	s19 =	sadd.s32 $0xFFFFFFFF, s19;
	_ =	swait.ge [sflag:s16], $0x4000  }
.Ltmp1:
0x29: {  	[sflag:s16] =	ssyncset.done $0x0;
	(pc) =	sbr.rel @p0 .LBB2_2-.Ltmp1, $4  }
0x2a: {  	[sflag:s16] =	ssyncadd.s32 $0xFFFFC000  }
0x2b: {  	[spmem:s1] =	stream.indirect.scatter.add.f32 [tilespmem:s15], [sflag:$0x2], $0x80, s18, s14, $0xb8;
	[tilespmem:$0x1DC00] =	vst v63  }
0x2c: {  	_ =	swait.ge [sflag:s13], $0x4000  }
0x2d: {  	[sflag:s13] =	ssyncset.done $0x0  }
.LBB2_3:
0x2e: {  	s17 =	sadd.s32 $0x1, s17  }
0x2f: {  	[sflag:s13] =	ssyncadd.s32 $0xFFFFC000;
	p0 =	sne.s32 s17, s11  }
.Ltmp2:
0x30: {  	[bflag:$0x0] =	sbarrier.arrive $0xFFFF;
	(pc) =	sbr.rel @p0 .LBB2_1-.Ltmp2, $4  }
0x31: {  	[hbm:s10], [sflag:s7] =	dma.local [spmem:s12], $0x2780  }
0x32: {  	_ =	swait.ge [sflag:s13], $0x2780  }
0x33: {  	[sflag:s13] =	ssyncset.done $0x0  }
0x34: {  	[sflag:s13] =	ssyncadd.s32 $0xFFFFD880  }
0x35: {  	_ =	sfence.sel $0x180000  }
0x36: {  	[bflag:$0x0] =	sbarrier.arrive $0xFFFF  }
0x37: {  	p0 =	sne.s32 s2, $0x0;
	_ =	strace $0x90000050  }
0x38: {  	s0 =	sadd.s32 @!p0 $0x100000, s0;
	[bflag:$0x2] =	sbarrier.arrive $0xFFFF  }
0x39: {  	[sflag:s0] =	ssyncadd.tile.s32 @!p0 $0x1;
	_ =	shalt  }
.Lfunc_end2:
_tile_overlayer_lowered:
.L_overlay_start_2:
0x3a: {  	(tag) =	ssettag $0x2  }
0x3b: {  	s0 =	rddreg [dreg:$0x0];
	s2 =	stileid.u32  }
0x3c: {  	s1 =	rddreg [dreg:$0x1];
	p0 =	sne.s32 s2, $0x0  }
0x3d: {  	s3 =	rddreg [dreg:$0x2];
	[bflag:$0x3] =	sbarrier.arrive $0xFFFF;
	s2 =	simm.s32 @!p0 $0x1C02  }
0x3e: {  	[timem:s3], [sflag:s2] =	dma.local @!p0 [hbm:s0], s1  }
0x3f: {  	s0 =	simm.s32 @!p0 $0x2  }
0x40: {  	_ =	swait.ge @!p0 [sflag:s0], s1  }
0x41: {  	s1 =	ssub.s32 @!p0 $0x0, s1;
	[sflag:s0] =	ssyncset.done @!p0 $0x0  }
0x42: {  	[sflag:s0] =	ssyncadd.s32 @!p0 s1  }
0x43: {  	[bflag:$0x3] =	sbarrier.arrive $0xFFFF  }
0x44: {  	_ =	shalt  }

</sc_bundles>
